<compile_context>
chip_gen: v7x
topology: tpu7x:2x2x1
jax: 0.10.2.dev20260603
libtpu: 0.0.44.dev20260713+nightly
codegen_flags: <defaults>
</compile_context>

<pallas_src>
import jax
import jax.numpy as jnp
from jax.experimental import pallas as pl
from jax.experimental.pallas import tpu as pltpu

IMG = 512
NUM_ANCHOR_TYPES = 15
PRE_NMS_TOPK = 2000
POST_NMS_KEEP = 300
IOU_THRESH = 0.7


def _conv2d(x, w, b, stride=1):
    out = jax.lax.conv_general_dilated(
        x, w, (stride, stride), 'SAME',
        dimension_numbers=('NCHW', 'OIHW', 'NCHW'))
    return out + b[None, :, None, None]


def _generate_anchors(fh, fw, stride):
    sizes = jnp.array([32.0, 64.0, 128.0, 256.0, 512.0], jnp.float32)
    ratios = jnp.array([0.5, 1.0, 2.0], jnp.float32)
    h_r = jnp.sqrt(ratios)
    w_r = 1.0 / h_r
    ws = (w_r[:, None] * sizes[None, :]).reshape(-1)
    hs = (h_r[:, None] * sizes[None, :]).reshape(-1)
    base = jnp.stack([-ws, -hs, ws, hs], axis=1) / 2.0
    sx = (jnp.arange(fw, dtype=jnp.float32) + 0.5) * stride
    sy = (jnp.arange(fh, dtype=jnp.float32) + 0.5) * stride
    yy, xx = jnp.meshgrid(sy, sx, indexing='ij')
    shifts = jnp.stack([xx.reshape(-1), yy.reshape(-1), xx.reshape(-1),
                        yy.reshape(-1)], axis=1)
    return (shifts[:, None, :] + base[None, :, :]).reshape(-1, 4)


def _decode_kernel(anchors_ref, deltas_ref, out_ref):
    a = anchors_ref[...]
    d = deltas_ref[...]
    wa = a[2] - a[0]
    ha = a[3] - a[1]
    cxa = a[0] + 0.5 * wa
    cya = a[1] + 0.5 * ha
    dx, dy = d[0], d[1]
    dw = jnp.clip(d[2], -4.0, 4.0)
    dh = jnp.clip(d[3], -4.0, 4.0)
    cx = dx * wa + cxa
    cy = dy * ha + cya
    w = jnp.exp(dw) * wa
    h = jnp.exp(dh) * ha
    boxes = jnp.stack([cx - 0.5 * w, cy - 0.5 * h, cx + 0.5 * w,
                       cy + 0.5 * h], axis=0)
    out_ref[...] = jnp.clip(boxes, 0.0, float(IMG))


def _decode_boxes_pallas(anchors, deltas):
    n = anchors.shape[0]
    out = pl.pallas_call(
        _decode_kernel,
        out_shape=jax.ShapeDtypeStruct((4, n), jnp.float32),
    )(anchors.T, deltas.T)
    return out.T


_NMS_N = 2048
_NMS_CHUNK = 256


def _lane_cumsum(x, n):
    d = 1
    while d < n:
        shifted = jnp.concatenate(
            [jnp.zeros((1, d), jnp.float32), x[:, :n - d]], axis=1)
        x = x + shifted
        d *= 2
    return x


def _nms_pallas_kernel(boxes_r_ref, boxes_c_ref, scores_ref,
                       out_boxes_ref, out_scores_ref, s_ref, keep_ref):
    n = _NMS_N
    ch = _NMS_CHUNK
    bx1 = boxes_r_ref[0:1, :]
    by1 = boxes_r_ref[1:2, :]
    bx2 = boxes_r_ref[2:3, :]
    by2 = boxes_r_ref[3:4, :]
    area_b = (bx2 - bx1) * (by2 - by1)

    for k in range(n // ch):
        r0 = k * ch
        ax1 = boxes_c_ref[pl.ds(r0, ch), 0:1]
        ay1 = boxes_c_ref[pl.ds(r0, ch), 1:2]
        ax2 = boxes_c_ref[pl.ds(r0, ch), 2:3]
        ay2 = boxes_c_ref[pl.ds(r0, ch), 3:4]
        area_a = (ax2 - ax1) * (ay2 - ay1)
        w = jnp.clip(jnp.minimum(ax2, bx2) - jnp.maximum(ax1, bx1), 0.0, None)
        h = jnp.clip(jnp.minimum(ay2, by2) - jnp.maximum(ay1, by1), 0.0, None)
        inter = w * h
        iou = inter / (area_a + area_b - inter + 1e-9)
        iidx = jax.lax.broadcasted_iota(jnp.int32, (ch, n), 0) + r0
        jidx = jax.lax.broadcasted_iota(jnp.int32, (ch, n), 1)
        s = jnp.where((iou > IOU_THRESH) & (jidx > iidx), 1.0, 0.0)
        s_ref[pl.ds(r0, ch), :] = s

    lane = jax.lax.broadcasted_iota(jnp.int32, (1, n), 1)
    keep_init = jnp.where(lane < PRE_NMS_TOPK, 1.0, 0.0)

    lane8 = jax.lax.broadcasted_iota(jnp.int32, (8, n), 1)
    sub8 = jax.lax.broadcasted_iota(jnp.int32, (8, 1), 0)

    def body(t, keep):
        base = pl.multiple_of(t * 8, 8)
        rows8 = s_ref[pl.ds(base, 8), :]
        oh8 = jnp.where(lane8 == t * 8 + sub8, 1.0, 0.0)
        alive_l = jax.lax.dot_general(
            keep, oh8, (((1,), (1,)), ((), ())),
            preferred_element_type=jnp.float32)
        s8 = jax.lax.dot_general(
            rows8, oh8, (((1,), (1,)), ((), ())),
            preferred_element_type=jnp.float32)
        for r in range(8):
            a = alive_l[0:1, r:r + 1]
            alive_l = alive_l * (1.0 - s8[r:r + 1, :] * a)
        sup = jax.lax.dot_general(
            alive_l, rows8, (((1,), (0,)), ((), ())),
            preferred_element_type=jnp.float32)
        return keep * jnp.where(sup > 0.0, 0.0, 1.0)

    keep = jax.lax.fori_loop(0, PRE_NMS_TOPK // 8, body, keep_init)
    keep_ref[...] = keep

    keep = keep_ref[...]
    scores = scores_ref[...]
    kept_scores = scores * keep - (1.0 - keep)
    csum_keep = _lane_cumsum(keep, n)
    csum_not = _lane_cumsum(1.0 - keep, n)
    total_kept = csum_keep[0:1, n - 1:n]
    pos = jnp.where(keep > 0.0, csum_keep - 1.0, total_kept + csum_not - 1.0)

    jpos = jax.lax.broadcasted_iota(
        jnp.int32, (POST_NMS_KEEP, n), 0).astype(jnp.float32)
    eq = jnp.where(jpos == pos, 1.0, 0.0)

    rx1 = jnp.sum(eq * bx1, axis=1, keepdims=True)
    ry1 = jnp.sum(eq * by1, axis=1, keepdims=True)
    rx2 = jnp.sum(eq * bx2, axis=1, keepdims=True)
    ry2 = jnp.sum(eq * by2, axis=1, keepdims=True)
    out_boxes_ref[...] = jnp.concatenate([rx1, ry1, rx2, ry2], axis=1)
    out_scores_ref[...] = jnp.sum(eq * kept_scores, axis=1, keepdims=True)


def _nms_pallas(pb, top_s):
    n = _NMS_N
    k = pb.shape[0]
    boxes_c = jnp.zeros((n, 4), jnp.float32).at[:k].set(pb)
    boxes_r = boxes_c.T
    scores = jnp.full((1, n), -1.0, jnp.float32).at[0, :k].set(top_s)
    out_boxes, out_scores = pl.pallas_call(
        _nms_pallas_kernel,
        out_shape=(
            jax.ShapeDtypeStruct((POST_NMS_KEEP, 4), jnp.float32),
            jax.ShapeDtypeStruct((POST_NMS_KEEP, 1), jnp.float32),
        ),
        scratch_shapes=[
            pltpu.VMEM((n, n), jnp.float32),
            pltpu.VMEM((1, n), jnp.float32),
        ],
    )(boxes_r, boxes_c, scores)
    return out_boxes, out_scores[:, 0]


@jax.jit
def kernel(images, w1, b1, w2, b2, w3, b3, w_rpn, b_rpn, w_cls, b_cls,
           w_reg, b_reg):
    x = jax.nn.relu(_conv2d(images, w1, b1, 2))
    x = jax.nn.relu(_conv2d(x, w2, b2, 2))
    feat = jax.nn.relu(_conv2d(x, w3, b3, 2))
    t = jax.nn.relu(_conv2d(feat, w_rpn, b_rpn, 1))
    logits = _conv2d(t, w_cls, b_cls, 1)
    deltas = _conv2d(t, w_reg, b_reg, 1)
    A = NUM_ANCHOR_TYPES
    fh, fw = logits.shape[2], logits.shape[3]
    scores = jax.nn.sigmoid(jnp.transpose(logits[0], (1, 2, 0)).reshape(-1))
    d = jnp.transpose(deltas[0].reshape(A, 4, fh, fw), (2, 3, 0, 1)).reshape(-1, 4)
    anchors = _generate_anchors(fh, fw, float(IMG) / fh)
    boxes = _decode_boxes_pallas(anchors, d)
    top_s, top_i = jax.lax.top_k(scores, PRE_NMS_TOPK)
    pb = jnp.take(boxes, top_i, axis=0)
    return _nms_pallas(pb, top_s)

# --- scband reference (transcript-rebuilt; emitter-appended) ---
"""Pipeline reference for scband-fcn-rcnn-1881195676290 (READ-ONLY COPY).

The authoritative reference and input builder live on the scoring server;
editing this copy changes nothing except your own understanding.
"""

import jax, jax.numpy as jnp
import numpy as np

IMG = 512
NUM_ANCHOR_TYPES = 15
PRE_NMS_TOPK = 2000
POST_NMS_KEEP = 300
IOU_THRESH = 0.7


def conv2d(x, w, b, stride=1):
    out = jax.lax.conv_general_dilated(x, w, (stride, stride), 'SAME', dimension_numbers=('NCHW', 'OIHW', 'NCHW'))
    return out + b[None, :, None, None]


def generate_anchors(fh, fw, stride):
    sizes = jnp.array([32.0, 64.0, 128.0, 256.0, 512.0], jnp.float32)
    ratios = jnp.array([0.5, 1.0, 2.0], jnp.float32)
    h_r = jnp.sqrt(ratios)
    w_r = 1.0 / h_r
    ws = (w_r[:, None] * sizes[None, :]).reshape(-1)
    hs = (h_r[:, None] * sizes[None, :]).reshape(-1)
    base = jnp.stack([-ws, -hs, ws, hs], axis=1) / 2.0
    sx = (jnp.arange(fw, dtype=jnp.float32) + 0.5) * stride
    sy = (jnp.arange(fh, dtype=jnp.float32) + 0.5) * stride
    yy, xx = jnp.meshgrid(sy, sx, indexing='ij')
    shifts = jnp.stack([xx.reshape(-1), yy.reshape(-1), xx.reshape(-1), yy.reshape(-1)], axis=1)
    return (shifts[:, None, :] + base[None, :, :]).reshape(-1, 4)


def decode_boxes(anchors, deltas):
    wa = anchors[:, 2] - anchors[:, 0]
    ha = anchors[:, 3] - anchors[:, 1]
    cxa = anchors[:, 0] + 0.5 * wa
    cya = anchors[:, 1] + 0.5 * ha
    dx, dy = deltas[:, 0], deltas[:, 1]
    dw = jnp.clip(deltas[:, 2], -4.0, 4.0)
    dh = jnp.clip(deltas[:, 3], -4.0, 4.0)
    cx = dx * wa + cxa
    cy = dy * ha + cya
    w = jnp.exp(dw) * wa
    h = jnp.exp(dh) * ha
    return jnp.stack([cx - 0.5 * w, cy - 0.5 * h, cx + 0.5 * w, cy + 0.5 * h], axis=1)


def box_iou(a, b):
    area_a = (a[:, 2] - a[:, 0]) * (a[:, 3] - a[:, 1])
    area_b = (b[:, 2] - b[:, 0]) * (b[:, 3] - b[:, 1])
    lt = jnp.maximum(a[:, None, :2], b[None, :, :2])
    rb = jnp.minimum(a[:, None, 2:], b[None, :, 2:])
    wh = jnp.clip(rb - lt, 0.0, None)
    inter = wh[..., 0] * wh[..., 1]
    return inter / (area_a[:, None] + area_b[None, :] - inter + 1e-9)


def nms_fixed(boxes, scores, iou_thresh, keep_k):
    n = boxes.shape[0]
    order = jnp.argsort(-scores)
    boxes_s = jnp.take(boxes, order, axis=0)
    scores_s = jnp.take(scores, order)
    iou = box_iou(jax.lax.stop_gradient(boxes_s), jax.lax.stop_gradient(boxes_s))
    suppress_mat = iou > iou_thresh
    idx = jnp.arange(n)

    def body(keep, i):
        alive = keep[i]
        sup = suppress_mat[i] & (idx > i) & alive
        keep = keep & (~sup)
        return keep, None

    keep0 = jnp.ones((n,), dtype=bool)
    keep, _ = jax.lax.scan(body, keep0, jnp.arange(n))
    kept_scores = jnp.where(keep, scores_s, -1.0)
    top_v, top_i = jax.lax.top_k(kept_scores, keep_k)
    return jnp.take(boxes_s, top_i, axis=0), top_v


def setup_inputs(seed: int = 0):
    key = jax.random.key(seed)
    ks = jax.random.split(key, 13)
    s = 0.05
    return {
        'images': jax.random.normal(ks[0], (1, 3, IMG, IMG), jnp.float32),
        'w1': jax.random.normal(ks[1], (64, 3, 3, 3), jnp.float32) * s,
        'b1': jnp.zeros((64,), jnp.float32),
        'w2': jax.random.normal(ks[2], (128, 64, 3, 3), jnp.float32) * s,
        'b2': jnp.zeros((128,), jnp.float32),
        'w3': jax.random.normal(ks[3], (256, 128, 3, 3), jnp.float32) * s,
        'b3': jnp.zeros((256,), jnp.float32),
        'w_rpn': jax.random.normal(ks[4], (256, 256, 3, 3), jnp.float32) * s,
        'b_rpn': jnp.zeros((256,), jnp.float32),
        'w_cls': jax.random.normal(ks[5], (NUM_ANCHOR_TYPES, 256, 1, 1), jnp.float32) * s,
        'b_cls': jnp.zeros((NUM_ANCHOR_TYPES,), jnp.float32),
        'w_reg': jax.random.normal(ks[6], (4 * NUM_ANCHOR_TYPES, 256, 1, 1), jnp.float32) * s,
        'b_reg': jnp.zeros((4 * NUM_ANCHOR_TYPES,), jnp.float32),
    }


def reference(images, w1, b1, w2, b2, w3, b3, w_rpn, b_rpn, w_cls, b_cls, w_reg, b_reg):
    x = jax.nn.relu(conv2d(images, w1, b1, 2))
    x = jax.nn.relu(conv2d(x, w2, b2, 2))
    feat = jax.nn.relu(conv2d(x, w3, b3, 2))
    t = jax.nn.relu(conv2d(feat, w_rpn, b_rpn, 1))
    logits = conv2d(t, w_cls, b_cls, 1)
    deltas = conv2d(t, w_reg, b_reg, 1)
    A = NUM_ANCHOR_TYPES
    fh, fw = logits.shape[2], logits.shape[3]
    scores = jax.nn.sigmoid(jnp.transpose(logits[0], (1, 2, 0)).reshape(-1))
    d = jnp.transpose(deltas[0].reshape(A, 4, fh, fw), (2, 3, 0, 1)).reshape(-1, 4)
    anchors = generate_anchors(fh, fw, float(IMG) / fh)
    boxes = decode_boxes(anchors, d)
    boxes = jnp.clip(boxes, 0.0, float(IMG))
    top_s, top_i = jax.lax.top_k(scores, PRE_NMS_TOPK)
    pb = jnp.take(boxes, top_i, axis=0)
    return nms_fixed(pb, top_s, IOU_THRESH, POST_NMS_KEEP)

if __name__ == "__main__":
    import jax
    _d = setup_inputs()
    print(jax.jit(kernel)(*tuple(_d.values())))

</pallas_src>

<mosaic_0001>
module attributes {stable_mosaic.version = 14 : i64} {
  func.func @_decode_kernel(%arg0: memref<4x61440xf32, #tpu.memory_space<vmem>>, %arg1: memref<4x61440xf32, #tpu.memory_space<vmem>>, %arg2: memref<4x61440xf32, #tpu.memory_space<vmem>>) attributes {dimension_semantics = [], scalar_prefetch = 0 : i64, scratch_operands = 0 : i64, tpu.core_type = #tpu.core_type<tc>} {
    %get3A = arith.constant 0 : index
    %get3A_0 = arith.constant 0 : index
    %get3A_1 = vector.load %arg0[%get3A, %get3A_0] : memref<4x61440xf32, #tpu.memory_space<vmem>>, vector<4x61440xf32>
    %get3A_2 = arith.constant 0 : index
    %get3A_3 = arith.constant 0 : index
    %get3A_4 = vector.load %arg1[%get3A_2, %get3A_3] : memref<4x61440xf32, #tpu.memory_space<vmem>>, vector<4x61440xf32>
    %slice3A = vector.extract_strided_slice %get3A_1 {offsets = [2, 0], sizes = [1, 61440], strides = [1, 1]} : vector<4x61440xf32> to vector<1x61440xf32>
    %squeeze3A = vector.shape_cast %slice3A : vector<1x61440xf32> to vector<61440xf32>
    %slice3A_5 = vector.extract_strided_slice %get3A_1 {offsets = [0, 0], sizes = [1, 61440], strides = [1, 1]} : vector<4x61440xf32> to vector<1x61440xf32>
    %squeeze3A_6 = vector.shape_cast %slice3A_5 : vector<1x61440xf32> to vector<61440xf32>
    %sub3A = arith.subf %squeeze3A, %squeeze3A_6 : vector<61440xf32>
    %slice3A_7 = vector.extract_strided_slice %get3A_1 {offsets = [3, 0], sizes = [1, 61440], strides = [1, 1]} : vector<4x61440xf32> to vector<1x61440xf32>
    %squeeze3A_8 = vector.shape_cast %slice3A_7 : vector<1x61440xf32> to vector<61440xf32>
    %slice3A_9 = vector.extract_strided_slice %get3A_1 {offsets = [1, 0], sizes = [1, 61440], strides = [1, 1]} : vector<4x61440xf32> to vector<1x61440xf32>
    %squeeze3A_10 = vector.shape_cast %slice3A_9 : vector<1x61440xf32> to vector<61440xf32>
    %sub3A_11 = arith.subf %squeeze3A_8, %squeeze3A_10 : vector<61440xf32>
    %slice3A_12 = vector.extract_strided_slice %get3A_1 {offsets = [0, 0], sizes = [1, 61440], strides = [1, 1]} : vector<4x61440xf32> to vector<1x61440xf32>
    %squeeze3A_13 = vector.shape_cast %slice3A_12 : vector<1x61440xf32> to vector<61440xf32>
    %mul3A = arith.constant 5.000000e-01 : f32
    %mul3A_14 = vector.broadcast %mul3A : f32 to vector<61440xf32>
    %mul3A_15 = arith.mulf %mul3A_14, %sub3A : vector<61440xf32>
    %add3A = arith.addf %squeeze3A_13, %mul3A_15 : vector<61440xf32>
    %slice3A_16 = vector.extract_strided_slice %get3A_1 {offsets = [1, 0], sizes = [1, 61440], strides = [1, 1]} : vector<4x61440xf32> to vector<1x61440xf32>
    %squeeze3A_17 = vector.shape_cast %slice3A_16 : vector<1x61440xf32> to vector<61440xf32>
    %mul3A_18 = arith.constant 5.000000e-01 : f32
    %mul3A_19 = vector.broadcast %mul3A_18 : f32 to vector<61440xf32>
    %mul3A_20 = arith.mulf %mul3A_19, %sub3A_11 : vector<61440xf32>
    %add3A_21 = arith.addf %squeeze3A_17, %mul3A_20 : vector<61440xf32>
    %slice3A_22 = vector.extract_strided_slice %get3A_4 {offsets = [0, 0], sizes = [1, 61440], strides = [1, 1]} : vector<4x61440xf32> to vector<1x61440xf32>
    %squeeze3A_23 = vector.shape_cast %slice3A_22 : vector<1x61440xf32> to vector<61440xf32>
    %slice3A_24 = vector.extract_strided_slice %get3A_4 {offsets = [1, 0], sizes = [1, 61440], strides = [1, 1]} : vector<4x61440xf32> to vector<1x61440xf32>
    %squeeze3A_25 = vector.shape_cast %slice3A_24 : vector<1x61440xf32> to vector<61440xf32>
    %slice3A_26 = vector.extract_strided_slice %get3A_4 {offsets = [2, 0], sizes = [1, 61440], strides = [1, 1]} : vector<4x61440xf32> to vector<1x61440xf32>
    %squeeze3A_27 = vector.shape_cast %slice3A_26 : vector<1x61440xf32> to vector<61440xf32>
    %jit3A = arith.constant -4.000000e+00 : f32
    %jit3A_28 = arith.constant 4.000000e+00 : f32
    %max3A = vector.broadcast %jit3A : f32 to vector<61440xf32>
    %max3A_29 = arith.maximumf %max3A, %squeeze3A_27 : vector<61440xf32>
    %min3A = vector.broadcast %jit3A_28 : f32 to vector<61440xf32>
    %min3A_30 = arith.minimumf %min3A, %max3A_29 : vector<61440xf32>
    %slice3A_31 = vector.extract_strided_slice %get3A_4 {offsets = [3, 0], sizes = [1, 61440], strides = [1, 1]} : vector<4x61440xf32> to vector<1x61440xf32>
    %squeeze3A_32 = vector.shape_cast %slice3A_31 : vector<1x61440xf32> to vector<61440xf32>
    %jit3A_33 = arith.constant -4.000000e+00 : f32
    %jit3A_34 = arith.constant 4.000000e+00 : f32
    %max3A_35 = vector.broadcast %jit3A_33 : f32 to vector<61440xf32>
    %max3A_36 = arith.maximumf %max3A_35, %squeeze3A_32 : vector<61440xf32>
    %min3A_37 = vector.broadcast %jit3A_34 : f32 to vector<61440xf32>
    %min3A_38 = arith.minimumf %min3A_37, %max3A_36 : vector<61440xf32>
    %mul3A_39 = arith.mulf %squeeze3A_23, %sub3A : vector<61440xf32>
    %add3A_40 = arith.addf %mul3A_39, %add3A : vector<61440xf32>
    %mul3A_41 = arith.mulf %squeeze3A_25, %sub3A_11 : vector<61440xf32>
    %add3A_42 = arith.addf %mul3A_41, %add3A_21 : vector<61440xf32>
    %exp3A = math.exp %min3A_30 : vector<61440xf32>
    %mul3A_43 = arith.mulf %exp3A, %sub3A : vector<61440xf32>
    %exp3A_44 = math.exp %min3A_38 : vector<61440xf32>
    %mul3A_45 = arith.mulf %exp3A_44, %sub3A_11 : vector<61440xf32>
    %mul3A_46 = arith.constant 5.000000e-01 : f32
    %mul3A_47 = vector.broadcast %mul3A_46 : f32 to vector<61440xf32>
    %mul3A_48 = arith.mulf %mul3A_47, %mul3A_43 : vector<61440xf32>
    %sub3A_49 = arith.subf %add3A_40, %mul3A_48 : vector<61440xf32>
    %mul3A_50 = arith.constant 5.000000e-01 : f32
    %mul3A_51 = vector.broadcast %mul3A_50 : f32 to vector<61440xf32>
    %mul3A_52 = arith.mulf %mul3A_51, %mul3A_45 : vector<61440xf32>
    %sub3A_53 = arith.subf %add3A_42, %mul3A_52 : vector<61440xf32>
    %mul3A_54 = arith.constant 5.000000e-01 : f32
    %mul3A_55 = vector.broadcast %mul3A_54 : f32 to vector<61440xf32>
    %mul3A_56 = arith.mulf %mul3A_55, %mul3A_43 : vector<61440xf32>
    %add3A_57 = arith.addf %add3A_40, %mul3A_56 : vector<61440xf32>
    %mul3A_58 = arith.constant 5.000000e-01 : f32
    %mul3A_59 = vector.broadcast %mul3A_58 : f32 to vector<61440xf32>
    %mul3A_60 = arith.mulf %mul3A_59, %mul3A_45 : vector<61440xf32>
    %add3A_61 = arith.addf %add3A_42, %mul3A_60 : vector<61440xf32>
    %stack3A = vector.shape_cast %sub3A_49 : vector<61440xf32> to vector<1x61440xf32>
    %stack3A_62 = vector.shape_cast %sub3A_53 : vector<61440xf32> to vector<1x61440xf32>
    %stack3A_63 = vector.shape_cast %add3A_57 : vector<61440xf32> to vector<1x61440xf32>
    %stack3A_64 = vector.shape_cast %add3A_61 : vector<61440xf32> to vector<1x61440xf32>
    %stack3A_65 = tpu.concatenate %stack3A, %stack3A_62, %stack3A_63, %stack3A_64 in 0 : vector<1x61440xf32>, vector<1x61440xf32>, vector<1x61440xf32>, vector<1x61440xf32> -> vector<4x61440xf32>
    %jit3A_66 = arith.constant 0.000000e+00 : f32
    %jit3A_67 = arith.constant 5.120000e+02 : f32
    %max3A_68 = vector.broadcast %jit3A_66 : f32 to vector<4x61440xf32>
    %max3A_69 = arith.maximumf %max3A_68, %stack3A_65 : vector<4x61440xf32>
    %min3A_70 = vector.broadcast %jit3A_67 : f32 to vector<4x61440xf32>
    %min3A_71 = arith.minimumf %min3A_70, %max3A_69 : vector<4x61440xf32>
    %swap3A = arith.constant 0 : index
    %swap3A_72 = arith.constant 0 : index
    %swap3A_73 = vector.load %arg2[%swap3A, %swap3A_72] : memref<4x61440xf32, #tpu.memory_space<vmem>>, vector<4x61440xf32>
    tpu.vector_store %arg2[%swap3A, %swap3A_72], %min3A_71 {strides = array<i32>} : memref<4x61440xf32, #tpu.memory_space<vmem>>, vector<4x61440xf32>,
    return
  }
}

module attributes {stable_mosaic.version = 14 : i64} {
  func.func @_nms_pallas_kernel(%arg0: memref<4x2048xf32, #tpu.memory_space<vmem>>, %arg1: memref<2048x4xf32, #tpu.memory_space<vmem>>, %arg2: memref<1x2048xf32, #tpu.memory_space<vmem>>, %arg3: memref<300x4xf32, #tpu.memory_space<vmem>>, %arg4: memref<300x1xf32, #tpu.memory_space<vmem>>, %arg5: memref<2048x2048xf32, #tpu.memory_space<vmem>>, %arg6: memref<1x2048xf32, #tpu.memory_space<vmem>>) attributes {dimension_semantics = [], scalar_prefetch = 0 : i64, scratch_operands = 2 : i64, tpu.core_type = #tpu.core_type<tc>} {
    %get3A = arith.constant 0 : index
    %get3A_0 = arith.constant 0 : index
    %get3A_1 = vector.load %arg0[%get3A, %get3A_0] : memref<4x2048xf32, #tpu.memory_space<vmem>>, vector<1x2048xf32>
    %get3A_2 = arith.constant 1 : index
    %get3A_3 = arith.constant 0 : index
    %get3A_4 = vector.load %arg0[%get3A_2, %get3A_3] : memref<4x2048xf32, #tpu.memory_space<vmem>>, vector<1x2048xf32>
    %get3A_5 = arith.constant 2 : index
    %get3A_6 = arith.constant 0 : index
    %get3A_7 = vector.load %arg0[%get3A_5, %get3A_6] : memref<4x2048xf32, #tpu.memory_space<vmem>>, vector<1x2048xf32>
    %get3A_8 = arith.constant 3 : index
    %get3A_9 = arith.constant 0 : index
    %get3A_10 = vector.load %arg0[%get3A_8, %get3A_9] : memref<4x2048xf32, #tpu.memory_space<vmem>>, vector<1x2048xf32>
    %sub3A = arith.subf %get3A_7, %get3A_1 : vector<1x2048xf32>
    %sub3A_11 = arith.subf %get3A_10, %get3A_4 : vector<1x2048xf32>
    %mul3A = arith.mulf %sub3A, %sub3A_11 : vector<1x2048xf32>
    %get3A_12 = arith.constant 0 : index
    %get3A_13 = arith.constant 0 : index
    %get3A_14 = vector.load %arg1[%get3A_12, %get3A_13] : memref<2048x4xf32, #tpu.memory_space<vmem>>, vector<256x1xf32>
    %get3A_15 = arith.constant 0 : index
    %get3A_16 = arith.constant 1 : index
    %get3A_17 = vector.load %arg1[%get3A_15, %get3A_16] : memref<2048x4xf32, #tpu.memory_space<vmem>>, vector<256x1xf32>
    %get3A_18 = arith.constant 0 : index
    %get3A_19 = arith.constant 2 : index
    %get3A_20 = vector.load %arg1[%get3A_18, %get3A_19] : memref<2048x4xf32, #tpu.memory_space<vmem>>, vector<256x1xf32>
    %get3A_21 = arith.constant 0 : index
    %get3A_22 = arith.constant 3 : index
    %get3A_23 = vector.load %arg1[%get3A_21, %get3A_22] : memref<2048x4xf32, #tpu.memory_space<vmem>>, vector<256x1xf32>
    %sub3A_24 = arith.subf %get3A_20, %get3A_14 : vector<256x1xf32>
    %sub3A_25 = arith.subf %get3A_23, %get3A_17 : vector<256x1xf32>
    %mul3A_26 = arith.mulf %sub3A_24, %sub3A_25 : vector<256x1xf32>
    %min3A = vector.broadcast %get3A_20 : vector<256x1xf32> to vector<256x2048xf32>
    %min3A_27 = vector.broadcast %get3A_7 : vector<1x2048xf32> to vector<256x2048xf32>
    %min3A_28 = arith.minimumf %min3A, %min3A_27 : vector<256x2048xf32>
    %max3A = vector.broadcast %get3A_14 : vector<256x1xf32> to vector<256x2048xf32>
    %max3A_29 = vector.broadcast %get3A_1 : vector<1x2048xf32> to vector<256x2048xf32>
    %max3A_30 = arith.maximumf %max3A, %max3A_29 : vector<256x2048xf32>
    %sub3A_31 = arith.subf %min3A_28, %max3A_30 : vector<256x2048xf32>
    %jit3A = arith.constant 0.000000e+00 : f32
    %max3A_32 = vector.broadcast %jit3A : f32 to vector<256x2048xf32>
    %max3A_33 = arith.maximumf %max3A_32, %sub3A_31 : vector<256x2048xf32>
    %min3A_34 = vector.broadcast %get3A_23 : vector<256x1xf32> to vector<256x2048xf32>
    %min3A_35 = vector.broadcast %get3A_10 : vector<1x2048xf32> to vector<256x2048xf32>
    %min3A_36 = arith.minimumf %min3A_34, %min3A_35 : vector<256x2048xf32>
    %max3A_37 = vector.broadcast %get3A_17 : vector<256x1xf32> to vector<256x2048xf32>
    %max3A_38 = vector.broadcast %get3A_4 : vector<1x2048xf32> to vector<256x2048xf32>
    %max3A_39 = arith.maximumf %max3A_37, %max3A_38 : vector<256x2048xf32>
    %sub3A_40 = arith.subf %min3A_36, %max3A_39 : vector<256x2048xf32>
    %jit3A_41 = arith.constant 0.000000e+00 : f32
    %max3A_42 = vector.broadcast %jit3A_41 : f32 to vector<256x2048xf32>
    %max3A_43 = arith.maximumf %max3A_42, %sub3A_40 : vector<256x2048xf32>
    %mul3A_44 = arith.mulf %max3A_33, %max3A_43 : vector<256x2048xf32>
    %add3A = vector.broadcast %mul3A_26 : vector<256x1xf32> to vector<256x2048xf32>
    %add3A_45 = vector.broadcast %mul3A : vector<1x2048xf32> to vector<256x2048xf32>
    %add3A_46 = arith.addf %add3A, %add3A_45 : vector<256x2048xf32>
    %sub3A_47 = arith.subf %add3A_46, %mul3A_44 : vector<256x2048xf32>
    %add3A_48 = arith.constant 9.99999971E-10 : f32
    %add3A_49 = vector.broadcast %add3A_48 : f32 to vector<256x2048xf32>
    %add3A_50 = arith.addf %sub3A_47, %add3A_49 : vector<256x2048xf32>
    %div3A = arith.divf %mul3A_44, %add3A_50 : vector<256x2048xf32>
    %iota3A = tpu.iota {dimensions = array<i32: 0>} : vector<256x2048xi32>
    %add3A_51 = arith.constant 0 : i32
    %add3A_52 = vector.broadcast %add3A_51 : i32 to vector<256x2048xi32>
    %add3A_53 = arith.addi %iota3A, %add3A_52 : vector<256x2048xi32>
    %iota3A_54 = tpu.iota {dimensions = array<i32: 1>} : vector<256x2048xi32>
    %gt3A = arith.constant 0.699999988 : f32
    %gt3A_55 = vector.broadcast %gt3A : f32 to vector<256x2048xf32>
    %gt3A_56 = arith.cmpf ogt, %div3A, %gt3A_55 : vector<256x2048xf32>
    %gt3A_57 = arith.cmpi sgt, %iota3A_54, %add3A_53 : vector<256x2048xi32>
    %and3A = arith.andi %gt3A_56, %gt3A_57 : vector<256x2048xi1>
    %jit3A_58 = arith.constant 1.000000e+00 : f32
    %jit3A_59 = arith.constant 0.000000e+00 : f32
    %broadcast_in_dim3A = vector.broadcast %jit3A_58 : f32 to vector<256x2048xf32>
    %broadcast_in_dim3A_60 = vector.broadcast %jit3A_59 : f32 to vector<256x2048xf32>
    %select_n3A = arith.select %and3A, %broadcast_in_dim3A, %broadcast_in_dim3A_60 : vector<256x2048xi1>, vector<256x2048xf32>
    %swap3A = arith.constant 0 : index
    %swap3A_61 = arith.constant 0 : index
    %swap3A_62 = vector.load %arg5[%swap3A, %swap3A_61] : memref<2048x2048xf32, #tpu.memory_space<vmem>>, vector<256x2048xf32>
    tpu.vector_store %arg5[%swap3A, %swap3A_61], %select_n3A {strides = array<i32>} : memref<2048x2048xf32, #tpu.memory_space<vmem>>, vector<256x2048xf32>,
    %get3A_63 = arith.constant 256 : index
    %get3A_64 = arith.constant 0 : index
    %get3A_65 = vector.load %arg1[%get3A_63, %get3A_64] : memref<2048x4xf32, #tpu.memory_space<vmem>>, vector<256x1xf32>
    %get3A_66 = arith.constant 256 : index
    %get3A_67 = arith.constant 1 : index
    %get3A_68 = vector.load %arg1[%get3A_66, %get3A_67] : memref<2048x4xf32, #tpu.memory_space<vmem>>, vector<256x1xf32>
    %get3A_69 = arith.constant 256 : index
    %get3A_70 = arith.constant 2 : index
    %get3A_71 = vector.load %arg1[%get3A_69, %get3A_70] : memref<2048x4xf32, #tpu.memory_space<vmem>>, vector<256x1xf32>
    %get3A_72 = arith.constant 256 : index
    %get3A_73 = arith.constant 3 : index
    %get3A_74 = vector.load %arg1[%get3A_72, %get3A_73] : memref<2048x4xf32, #tpu.memory_space<vmem>>, vector<256x1xf32>
    %sub3A_75 = arith.subf %get3A_71, %get3A_65 : vector<256x1xf32>
    %sub3A_76 = arith.subf %get3A_74, %get3A_68 : vector<256x1xf32>
    %mul3A_77 = arith.mulf %sub3A_75, %sub3A_76 : vector<256x1xf32>
    %min3A_78 = vector.broadcast %get3A_71 : vector<256x1xf32> to vector<256x2048xf32>
    %min3A_79 = vector.broadcast %get3A_7 : vector<1x2048xf32> to vector<256x2048xf32>
    %min3A_80 = arith.minimumf %min3A_78, %min3A_79 : vector<256x2048xf32>
    %max3A_81 = vector.broadcast %get3A_65 : vector<256x1xf32> to vector<256x2048xf32>
    %max3A_82 = vector.broadcast %get3A_1 : vector<1x2048xf32> to vector<256x2048xf32>
    %max3A_83 = arith.maximumf %max3A_81, %max3A_82 : vector<256x2048xf32>
    %sub3A_84 = arith.subf %min3A_80, %max3A_83 : vector<256x2048xf32>
    %jit3A_85 = arith.constant 0.000000e+00 : f32
    %max3A_86 = vector.broadcast %jit3A_85 : f32 to vector<256x2048xf32>
    %max3A_87 = arith.maximumf %max3A_86, %sub3A_84 : vector<256x2048xf32>
    %min3A_88 = vector.broadcast %get3A_74 : vector<256x1xf32> to vector<256x2048xf32>
    %min3A_89 = vector.broadcast %get3A_10 : vector<1x2048xf32> to vector<256x2048xf32>
    %min3A_90 = arith.minimumf %min3A_88, %min3A_89 : vector<256x2048xf32>
    %max3A_91 = vector.broadcast %get3A_68 : vector<256x1xf32> to vector<256x2048xf32>
    %max3A_92 = vector.broadcast %get3A_4 : vector<1x2048xf32> to vector<256x2048xf32>
    %max3A_93 = arith.maximumf %max3A_91, %max3A_92 : vector<256x2048xf32>
    %sub3A_94 = arith.subf %min3A_90, %max3A_93 : vector<256x2048xf32>
    %jit3A_95 = arith.constant 0.000000e+00 : f32
    %max3A_96 = vector.broadcast %jit3A_95 : f32 to vector<256x2048xf32>
    %max3A_97 = arith.maximumf %max3A_96, %sub3A_94 : vector<256x2048xf32>
    %mul3A_98 = arith.mulf %max3A_87, %max3A_97 : vector<256x2048xf32>
    %add3A_99 = vector.broadcast %mul3A_77 : vector<256x1xf32> to vector<256x2048xf32>
    %add3A_100 = vector.broadcast %mul3A : vector<1x2048xf32> to vector<256x2048xf32>
    %add3A_101 = arith.addf %add3A_99, %add3A_100 : vector<256x2048xf32>
    %sub3A_102 = arith.subf %add3A_101, %mul3A_98 : vector<256x2048xf32>
    %add3A_103 = arith.constant 9.99999971E-10 : f32
    %add3A_104 = vector.broadcast %add3A_103 : f32 to vector<256x2048xf32>
    %add3A_105 = arith.addf %sub3A_102, %add3A_104 : vector<256x2048xf32>
    %div3A_106 = arith.divf %mul3A_98, %add3A_105 : vector<256x2048xf32>
    %iota3A_107 = tpu.iota {dimensions = array<i32: 0>} : vector<256x2048xi32>
    %add3A_108 = arith.constant 256 : i32
    %add3A_109 = vector.broadcast %add3A_108 : i32 to vector<256x2048xi32>
    %add3A_110 = arith.addi %iota3A_107, %add3A_109 : vector<256x2048xi32>
    %iota3A_111 = tpu.iota {dimensions = array<i32: 1>} : vector<256x2048xi32>
    %gt3A_112 = arith.constant 0.699999988 : f32
    %gt3A_113 = vector.broadcast %gt3A_112 : f32 to vector<256x2048xf32>
    %gt3A_114 = arith.cmpf ogt, %div3A_106, %gt3A_113 : vector<256x2048xf32>
    %gt3A_115 = arith.cmpi sgt, %iota3A_111, %add3A_110 : vector<256x2048xi32>
    %and3A_116 = arith.andi %gt3A_114, %gt3A_115 : vector<256x2048xi1>
    %jit3A_117 = arith.constant 1.000000e+00 : f32
    %jit3A_118 = arith.constant 0.000000e+00 : f32
    %broadcast_in_dim3A_119 = vector.broadcast %jit3A_117 : f32 to vector<256x2048xf32>
    %broadcast_in_dim3A_120 = vector.broadcast %jit3A_118 : f32 to vector<256x2048xf32>
    %select_n3A_121 = arith.select %and3A_116, %broadcast_in_dim3A_119, %broadcast_in_dim3A_120 : vector<256x2048xi1>, vector<256x2048xf32>
    %swap3A_122 = arith.constant 256 : index
    %swap3A_123 = arith.constant 0 : index
    %swap3A_124 = vector.load %arg5[%swap3A_122, %swap3A_123] : memref<2048x2048xf32, #tpu.memory_space<vmem>>, vector<256x2048xf32>
    tpu.vector_store %arg5[%swap3A_122, %swap3A_123], %select_n3A_121 {strides = array<i32>} : memref<2048x2048xf32, #tpu.memory_space<vmem>>, vector<256x2048xf32>,
    %get3A_125 = arith.constant 512 : index
    %get3A_126 = arith.constant 0 : index
    %get3A_127 = vector.load %arg1[%get3A_125, %get3A_126] : memref<2048x4xf32, #tpu.memory_space<vmem>>, vector<256x1xf32>
    %get3A_128 = arith.constant 512 : index
    %get3A_129 = arith.constant 1 : index
    %get3A_130 = vector.load %arg1[%get3A_128, %get3A_129] : memref<2048x4xf32, #tpu.memory_space<vmem>>, vector<256x1xf32>
    %get3A_131 = arith.constant 512 : index
    %get3A_132 = arith.constant 2 : index
    %get3A_133 = vector.load %arg1[%get3A_131, %get3A_132] : memref<2048x4xf32, #tpu.memory_space<vmem>>, vector<256x1xf32>
    %get3A_134 = arith.constant 512 : index
    %get3A_135 = arith.constant 3 : index
    %get3A_136 = vector.load %arg1[%get3A_134, %get3A_135] : memref<2048x4xf32, #tpu.memory_space<vmem>>, vector<256x1xf32>
    %sub3A_137 = arith.subf %get3A_133, %get3A_127 : vector<256x1xf32>
    %sub3A_138 = arith.subf %get3A_136, %get3A_130 : vector<256x1xf32>
    %mul3A_139 = arith.mulf %sub3A_137, %sub3A_138 : vector<256x1xf32>
    %min3A_140 = vector.broadcast %get3A_133 : vector<256x1xf32> to vector<256x2048xf32>
    %min3A_141 = vector.broadcast %get3A_7 : vector<1x2048xf32> to vector<256x2048xf32>
    %min3A_142 = arith.minimumf %min3A_140, %min3A_141 : vector<256x2048xf32>
    %max3A_143 = vector.broadcast %get3A_127 : vector<256x1xf32> to vector<256x2048xf32>
    %max3A_144 = vector.broadcast %get3A_1 : vector<1x2048xf32> to vector<256x2048xf32>
    %max3A_145 = arith.maximumf %max3A_143, %max3A_144 : vector<256x2048xf32>
    %sub3A_146 = arith.subf %min3A_142, %max3A_145 : vector<256x2048xf32>
    %jit3A_147 = arith.constant 0.000000e+00 : f32
    %max3A_148 = vector.broadcast %jit3A_147 : f32 to vector<256x2048xf32>
    %max3A_149 = arith.maximumf %max3A_148, %sub3A_146 : vector<256x2048xf32>
    %min3A_150 = vector.broadcast %get3A_136 : vector<256x1xf32> to vector<256x2048xf32>
    %min3A_151 = vector.broadcast %get3A_10 : vector<1x2048xf32> to vector<256x2048xf32>
    %min3A_152 = arith.minimumf %min3A_150, %min3A_151 : vector<256x2048xf32>
    %max3A_153 = vector.broadcast %get3A_130 : vector<256x1xf32> to vector<256x2048xf32>
    %max3A_154 = vector.broadcast %get3A_4 : vector<1x2048xf32> to vector<256x2048xf32>
    %max3A_155 = arith.maximumf %max3A_153, %max3A_154 : vector<256x2048xf32>
    %sub3A_156 = arith.subf %min3A_152, %max3A_155 : vector<256x2048xf32>
    %jit3A_157 = arith.constant 0.000000e+00 : f32
    %max3A_158 = vector.broadcast %jit3A_157 : f32 to vector<256x2048xf32>
    %max3A_159 = arith.maximumf %max3A_158, %sub3A_156 : vector<256x2048xf32>
    %mul3A_160 = arith.mulf %max3A_149, %max3A_159 : vector<256x2048xf32>
    %add3A_161 = vector.broadcast %mul3A_139 : vector<256x1xf32> to vector<256x2048xf32>
    %add3A_162 = vector.broadcast %mul3A : vector<1x2048xf32> to vector<256x2048xf32>
    %add3A_163 = arith.addf %add3A_161, %add3A_162 : vector<256x2048xf32>
    %sub3A_164 = arith.subf %add3A_163, %mul3A_160 : vector<256x2048xf32>
    %add3A_165 = arith.constant 9.99999971E-10 : f32
    %add3A_166 = vector.broadcast %add3A_165 : f32 to vector<256x2048xf32>
    %add3A_167 = arith.addf %sub3A_164, %add3A_166 : vector<256x2048xf32>
    %div3A_168 = arith.divf %mul3A_160, %add3A_167 : vector<256x2048xf32>
    %iota3A_169 = tpu.iota {dimensions = array<i32: 0>} : vector<256x2048xi32>
    %add3A_170 = arith.constant 512 : i32
    %add3A_171 = vector.broadcast %add3A_170 : i32 to vector<256x2048xi32>
    %add3A_172 = arith.addi %iota3A_169, %add3A_171 : vector<256x2048xi32>
    %iota3A_173 = tpu.iota {dimensions = array<i32: 1>} : vector<256x2048xi32>
    %gt3A_174 = arith.constant 0.699999988 : f32
    %gt3A_175 = vector.broadcast %gt3A_174 : f32 to vector<256x2048xf32>
    %gt3A_176 = arith.cmpf ogt, %div3A_168, %gt3A_175 : vector<256x2048xf32>
    %gt3A_177 = arith.cmpi sgt, %iota3A_173, %add3A_172 : vector<256x2048xi32>
    %and3A_178 = arith.andi %gt3A_176, %gt3A_177 : vector<256x2048xi1>
    %jit3A_179 = arith.constant 1.000000e+00 : f32
    %jit3A_180 = arith.constant 0.000000e+00 : f32
    %broadcast_in_dim3A_181 = vector.broadcast %jit3A_179 : f32 to vector<256x2048xf32>
    %broadcast_in_dim3A_182 = vector.broadcast %jit3A_180 : f32 to vector<256x2048xf32>
    %select_n3A_183 = arith.select %and3A_178, %broadcast_in_dim3A_181, %broadcast_in_dim3A_182 : vector<256x2048xi1>, vector<256x2048xf32>
    %swap3A_184 = arith.constant 512 : index
    %swap3A_185 = arith.constant 0 : index
    %swap3A_186 = vector.load %arg5[%swap3A_184, %swap3A_185] : memref<2048x2048xf32, #tpu.memory_space<vmem>>, vector<256x2048xf32>
    tpu.vector_store %arg5[%swap3A_184, %swap3A_185], %select_n3A_183 {strides = array<i32>} : memref<2048x2048xf32, #tpu.memory_space<vmem>>, vector<256x2048xf32>,
    %get3A_187 = arith.constant 768 : index
    %get3A_188 = arith.constant 0 : index
    %get3A_189 = vector.load %arg1[%get3A_187, %get3A_188] : memref<2048x4xf32, #tpu.memory_space<vmem>>, vector<256x1xf32>
    %get3A_190 = arith.constant 768 : index
    %get3A_191 = arith.constant 1 : index
    %get3A_192 = vector.load %arg1[%get3A_190, %get3A_191] : memref<2048x4xf32, #tpu.memory_space<vmem>>, vector<256x1xf32>
    %get3A_193 = arith.constant 768 : index
    %get3A_194 = arith.constant 2 : index
    %get3A_195 = vector.load %arg1[%get3A_193, %get3A_194] : memref<2048x4xf32, #tpu.memory_space<vmem>>, vector<256x1xf32>
    %get3A_196 = arith.constant 768 : index
    %get3A_197 = arith.constant 3 : index
    %get3A_198 = vector.load %arg1[%get3A_196, %get3A_197] : memref<2048x4xf32, #tpu.memory_space<vmem>>, vector<256x1xf32>
    %sub3A_199 = arith.subf %get3A_195, %get3A_189 : vector<256x1xf32>
    %sub3A_200 = arith.subf %get3A_198, %get3A_192 : vector<256x1xf32>
    %mul3A_201 = arith.mulf %sub3A_199, %sub3A_200 : vector<256x1xf32>
    %min3A_202 = vector.broadcast %get3A_195 : vector<256x1xf32> to vector<256x2048xf32>
    %min3A_203 = vector.broadcast %get3A_7 : vector<1x2048xf32> to vector<256x2048xf32>
    %min3A_204 = arith.minimumf %min3A_202, %min3A_203 : vector<256x2048xf32>
    %max3A_205 = vector.broadcast %get3A_189 : vector<256x1xf32> to vector<256x2048xf32>
    %max3A_206 = vector.broadcast %get3A_1 : vector<1x2048xf32> to vector<256x2048xf32>
    %max3A_207 = arith.maximumf %max3A_205, %max3A_206 : vector<256x2048xf32>
    %sub3A_208 = arith.subf %min3A_204, %max3A_207 : vector<256x2048xf32>
    %jit3A_209 = arith.constant 0.000000e+00 : f32
    %max3A_210 = vector.broadcast %jit3A_209 : f32 to vector<256x2048xf32>
    %max3A_211 = arith.maximumf %max3A_210, %sub3A_208 : vector<256x2048xf32>
    %min3A_212 = vector.broadcast %get3A_198 : vector<256x1xf32> to vector<256x2048xf32>
    %min3A_213 = vector.broadcast %get3A_10 : vector<1x2048xf32> to vector<256x2048xf32>
    %min3A_214 = arith.minimumf %min3A_212, %min3A_213 : vector<256x2048xf32>
    %max3A_215 = vector.broadcast %get3A_192 : vector<256x1xf32> to vector<256x2048xf32>
    %max3A_216 = vector.broadcast %get3A_4 : vector<1x2048xf32> to vector<256x2048xf32>
    %max3A_217 = arith.maximumf %max3A_215, %max3A_216 : vector<256x2048xf32>
    %sub3A_218 = arith.subf %min3A_214, %max3A_217 : vector<256x2048xf32>
    %jit3A_219 = arith.constant 0.000000e+00 : f32
    %max3A_220 = vector.broadcast %jit3A_219 : f32 to vector<256x2048xf32>
    %max3A_221 = arith.maximumf %max3A_220, %sub3A_218 : vector<256x2048xf32>
    %mul3A_222 = arith.mulf %max3A_211, %max3A_221 : vector<256x2048xf32>
    %add3A_223 = vector.broadcast %mul3A_201 : vector<256x1xf32> to vector<256x2048xf32>
    %add3A_224 = vector.broadcast %mul3A : vector<1x2048xf32> to vector<256x2048xf32>
    %add3A_225 = arith.addf %add3A_223, %add3A_224 : vector<256x2048xf32>
    %sub3A_226 = arith.subf %add3A_225, %mul3A_222 : vector<256x2048xf32>
    %add3A_227 = arith.constant 9.99999971E-10 : f32
    %add3A_228 = vector.broadcast %add3A_227 : f32 to vector<256x2048xf32>
    %add3A_229 = arith.addf %sub3A_226, %add3A_228 : vector<256x2048xf32>
    %div3A_230 = arith.divf %mul3A_222, %add3A_229 : vector<256x2048xf32>
    %iota3A_231 = tpu.iota {dimensions = array<i32: 0>} : vector<256x2048xi32>
    %add3A_232 = arith.constant 768 : i32
    %add3A_233 = vector.broadcast %add3A_232 : i32 to vector<256x2048xi32>
    %add3A_234 = arith.addi %iota3A_231, %add3A_233 : vector<256x2048xi32>
    %iota3A_235 = tpu.iota {dimensions = array<i32: 1>} : vector<256x2048xi32>
    %gt3A_236 = arith.constant 0.699999988 : f32
    %gt3A_237 = vector.broadcast %gt3A_236 : f32 to vector<256x2048xf32>
    %gt3A_238 = arith.cmpf ogt, %div3A_230, %gt3A_237 : vector<256x2048xf32>
    %gt3A_239 = arith.cmpi sgt, %iota3A_235, %add3A_234 : vector<256x2048xi32>
    %and3A_240 = arith.andi %gt3A_238, %gt3A_239 : vector<256x2048xi1>
    %jit3A_241 = arith.constant 1.000000e+00 : f32
    %jit3A_242 = arith.constant 0.000000e+00 : f32
    %broadcast_in_dim3A_243 = vector.broadcast %jit3A_241 : f32 to vector<256x2048xf32>
    %broadcast_in_dim3A_244 = vector.broadcast %jit3A_242 : f32 to vector<256x2048xf32>
    %select_n3A_245 = arith.select %and3A_240, %broadcast_in_dim3A_243, %broadcast_in_dim3A_244 : vector<256x2048xi1>, vector<256x2048xf32>
    %swap3A_246 = arith.constant 768 : index
    %swap3A_247 = arith.constant 0 : index
    %swap3A_248 = vector.load %arg5[%swap3A_246, %swap3A_247] : memref<2048x2048xf32, #tpu.memory_space<vmem>>, vector<256x2048xf32>
    tpu.vector_store %arg5[%swap3A_246, %swap3A_247], %select_n3A_245 {strides = array<i32>} : memref<2048x2048xf32, #tpu.memory_space<vmem>>, vector<256x2048xf32>,
    %get3A_249 = arith.constant 1024 : index
    %get3A_250 = arith.constant 0 : index
    %get3A_251 = vector.load %arg1[%get3A_249, %get3A_250] : memref<2048x4xf32, #tpu.memory_space<vmem>>, vector<256x1xf32>
    %get3A_252 = arith.constant 1024 : index
    %get3A_253 = arith.constant 1 : index
    %get3A_254 = vector.load %arg1[%get3A_252, %get3A_253] : memref<2048x4xf32, #tpu.memory_space<vmem>>, vector<256x1xf32>
    %get3A_255 = arith.constant 1024 : index
    %get3A_256 = arith.constant 2 : index
    %get3A_257 = vector.load %arg1[%get3A_255, %get3A_256] : memref<2048x4xf32, #tpu.memory_space<vmem>>, vector<256x1xf32>
    %get3A_258 = arith.constant 1024 : index
    %get3A_259 = arith.constant 3 : index
    %get3A_260 = vector.load %arg1[%get3A_258, %get3A_259] : memref<2048x4xf32, #tpu.memory_space<vmem>>, vector<256x1xf32>
    %sub3A_261 = arith.subf %get3A_257, %get3A_251 : vector<256x1xf32>
    %sub3A_262 = arith.subf %get3A_260, %get3A_254 : vector<256x1xf32>
    %mul3A_263 = arith.mulf %sub3A_261, %sub3A_262 : vector<256x1xf32>
    %min3A_264 = vector.broadcast %get3A_257 : vector<256x1xf32> to vector<256x2048xf32>
    %min3A_265 = vector.broadcast %get3A_7 : vector<1x2048xf32> to vector<256x2048xf32>
    %min3A_266 = arith.minimumf %min3A_264, %min3A_265 : vector<256x2048xf32>
    %max3A_267 = vector.broadcast %get3A_251 : vector<256x1xf32> to vector<256x2048xf32>
    %max3A_268 = vector.broadcast %get3A_1 : vector<1x2048xf32> to vector<256x2048xf32>
    %max3A_269 = arith.maximumf %max3A_267, %max3A_268 : vector<256x2048xf32>
    %sub3A_270 = arith.subf %min3A_266, %max3A_269 : vector<256x2048xf32>
    %jit3A_271 = arith.constant 0.000000e+00 : f32
    %max3A_272 = vector.broadcast %jit3A_271 : f32 to vector<256x2048xf32>
    %max3A_273 = arith.maximumf %max3A_272, %sub3A_270 : vector<256x2048xf32>
    %min3A_274 = vector.broadcast %get3A_260 : vector<256x1xf32> to vector<256x2048xf32>
    %min3A_275 = vector.broadcast %get3A_10 : vector<1x2048xf32> to vector<256x2048xf32>
    %min3A_276 = arith.minimumf %min3A_274, %min3A_275 : vector<256x2048xf32>
    %max3A_277 = vector.broadcast %get3A_254 : vector<256x1xf32> to vector<256x2048xf32>
    %max3A_278 = vector.broadcast %get3A_4 : vector<1x2048xf32> to vector<256x2048xf32>
    %max3A_279 = arith.maximumf %max3A_277, %max3A_278 : vector<256x2048xf32>
    %sub3A_280 = arith.subf %min3A_276, %max3A_279 : vector<256x2048xf32>
    %jit3A_281 = arith.constant 0.000000e+00 : f32
    %max3A_282 = vector.broadcast %jit3A_281 : f32 to vector<256x2048xf32>
    %max3A_283 = arith.maximumf %max3A_282, %sub3A_280 : vector<256x2048xf32>
    %mul3A_284 = arith.mulf %max3A_273, %max3A_283 : vector<256x2048xf32>
    %add3A_285 = vector.broadcast %mul3A_263 : vector<256x1xf32> to vector<256x2048xf32>
    %add3A_286 = vector.broadcast %mul3A : vector<1x2048xf32> to vector<256x2048xf32>
    %add3A_287 = arith.addf %add3A_285, %add3A_286 : vector<256x2048xf32>
    %sub3A_288 = arith.subf %add3A_287, %mul3A_284 : vector<256x2048xf32>
    %add3A_289 = arith.constant 9.99999971E-10 : f32
    %add3A_290 = vector.broadcast %add3A_289 : f32 to vector<256x2048xf32>
    %add3A_291 = arith.addf %sub3A_288, %add3A_290 : vector<256x2048xf32>
    %div3A_292 = arith.divf %mul3A_284, %add3A_291 : vector<256x2048xf32>
    %iota3A_293 = tpu.iota {dimensions = array<i32: 0>} : vector<256x2048xi32>
    %add3A_294 = arith.constant 1024 : i32
    %add3A_295 = vector.broadcast %add3A_294 : i32 to vector<256x2048xi32>
    %add3A_296 = arith.addi %iota3A_293, %add3A_295 : vector<256x2048xi32>
    %iota3A_297 = tpu.iota {dimensions = array<i32: 1>} : vector<256x2048xi32>
    %gt3A_298 = arith.constant 0.699999988 : f32
    %gt3A_299 = vector.broadcast %gt3A_298 : f32 to vector<256x2048xf32>
    %gt3A_300 = arith.cmpf ogt, %div3A_292, %gt3A_299 : vector<256x2048xf32>
    %gt3A_301 = arith.cmpi sgt, %iota3A_297, %add3A_296 : vector<256x2048xi32>
    %and3A_302 = arith.andi %gt3A_300, %gt3A_301 : vector<256x2048xi1>
    %jit3A_303 = arith.constant 1.000000e+00 : f32
    %jit3A_304 = arith.constant 0.000000e+00 : f32
    %broadcast_in_dim3A_305 = vector.broadcast %jit3A_303 : f32 to vector<256x2048xf32>
    %broadcast_in_dim3A_306 = vector.broadcast %jit3A_304 : f32 to vector<256x2048xf32>
    %select_n3A_307 = arith.select %and3A_302, %broadcast_in_dim3A_305, %broadcast_in_dim3A_306 : vector<256x2048xi1>, vector<256x2048xf32>
    %swap3A_308 = arith.constant 1024 : index
    %swap3A_309 = arith.constant 0 : index
    %swap3A_310 = vector.load %arg5[%swap3A_308, %swap3A_309] : memref<2048x2048xf32, #tpu.memory_space<vmem>>, vector<256x2048xf32>
    tpu.vector_store %arg5[%swap3A_308, %swap3A_309], %select_n3A_307 {strides = array<i32>} : memref<2048x2048xf32, #tpu.memory_space<vmem>>, vector<256x2048xf32>,
    %get3A_311 = arith.constant 1280 : index
    %get3A_312 = arith.constant 0 : index
    %get3A_313 = vector.load %arg1[%get3A_311, %get3A_312] : memref<2048x4xf32, #tpu.memory_space<vmem>>, vector<256x1xf32>
    %get3A_314 = arith.constant 1280 : index
    %get3A_315 = arith.constant 1 : index
    %get3A_316 = vector.load %arg1[%get3A_314, %get3A_315] : memref<2048x4xf32, #tpu.memory_space<vmem>>, vector<256x1xf32>
    %get3A_317 = arith.constant 1280 : index
    %get3A_318 = arith.constant 2 : index
    %get3A_319 = vector.load %arg1[%get3A_317, %get3A_318] : memref<2048x4xf32, #tpu.memory_space<vmem>>, vector<256x1xf32>
    %get3A_320 = arith.constant 1280 : index
    %get3A_321 = arith.constant 3 : index
    %get3A_322 = vector.load %arg1[%get3A_320, %get3A_321] : memref<2048x4xf32, #tpu.memory_space<vmem>>, vector<256x1xf32>
    %sub3A_323 = arith.subf %get3A_319, %get3A_313 : vector<256x1xf32>
    %sub3A_324 = arith.subf %get3A_322, %get3A_316 : vector<256x1xf32>
    %mul3A_325 = arith.mulf %sub3A_323, %sub3A_324 : vector<256x1xf32>
    %min3A_326 = vector.broadcast %get3A_319 : vector<256x1xf32> to vector<256x2048xf32>
    %min3A_327 = vector.broadcast %get3A_7 : vector<1x2048xf32> to vector<256x2048xf32>
    %min3A_328 = arith.minimumf %min3A_326, %min3A_327 : vector<256x2048xf32>
    %max3A_329 = vector.broadcast %get3A_313 : vector<256x1xf32> to vector<256x2048xf32>
    %max3A_330 = vector.broadcast %get3A_1 : vector<1x2048xf32> to vector<256x2048xf32>
    %max3A_331 = arith.maximumf %max3A_329, %max3A_330 : vector<256x2048xf32>
    %sub3A_332 = arith.subf %min3A_328, %max3A_331 : vector<256x2048xf32>
    %jit3A_333 = arith.constant 0.000000e+00 : f32
    %max3A_334 = vector.broadcast %jit3A_333 : f32 to vector<256x2048xf32>
    %max3A_335 = arith.maximumf %max3A_334, %sub3A_332 : vector<256x2048xf32>
    %min3A_336 = vector.broadcast %get3A_322 : vector<256x1xf32> to vector<256x2048xf32>
    %min3A_337 = vector.broadcast %get3A_10 : vector<1x2048xf32> to vector<256x2048xf32>
    %min3A_338 = arith.minimumf %min3A_336, %min3A_337 : vector<256x2048xf32>
    %max3A_339 = vector.broadcast %get3A_316 : vector<256x1xf32> to vector<256x2048xf32>
    %max3A_340 = vector.broadcast %get3A_4 : vector<1x2048xf32> to vector<256x2048xf32>
    %max3A_341 = arith.maximumf %max3A_339, %max3A_340 : vector<256x2048xf32>
    %sub3A_342 = arith.subf %min3A_338, %max3A_341 : vector<256x2048xf32>
    %jit3A_343 = arith.constant 0.000000e+00 : f32
    %max3A_344 = vector.broadcast %jit3A_343 : f32 to vector<256x2048xf32>
    %max3A_345 = arith.maximumf %max3A_344, %sub3A_342 : vector<256x2048xf32>
    %mul3A_346 = arith.mulf %max3A_335, %max3A_345 : vector<256x2048xf32>
    %add3A_347 = vector.broadcast %mul3A_325 : vector<256x1xf32> to vector<256x2048xf32>
    %add3A_348 = vector.broadcast %mul3A : vector<1x2048xf32> to vector<256x2048xf32>
    %add3A_349 = arith.addf %add3A_347, %add3A_348 : vector<256x2048xf32>
    %sub3A_350 = arith.subf %add3A_349, %mul3A_346 : vector<256x2048xf32>
    %add3A_351 = arith.constant 9.99999971E-10 : f32
    %add3A_352 = vector.broadcast %add3A_351 : f32 to vector<256x2048xf32>
    %add3A_353 = arith.addf %sub3A_350, %add3A_352 : vector<256x2048xf32>
    %div3A_354 = arith.divf %mul3A_346, %add3A_353 : vector<256x2048xf32>
    %iota3A_355 = tpu.iota {dimensions = array<i32: 0>} : vector<256x2048xi32>
    %add3A_356 = arith.constant 1280 : i32
    %add3A_357 = vector.broadcast %add3A_356 : i32 to vector<256x2048xi32>
    %add3A_358 = arith.addi %iota3A_355, %add3A_357 : vector<256x2048xi32>
    %iota3A_359 = tpu.iota {dimensions = array<i32: 1>} : vector<256x2048xi32>
    %gt3A_360 = arith.constant 0.699999988 : f32
    %gt3A_361 = vector.broadcast %gt3A_360 : f32 to vector<256x2048xf32>
    %gt3A_362 = arith.cmpf ogt, %div3A_354, %gt3A_361 : vector<256x2048xf32>
    %gt3A_363 = arith.cmpi sgt, %iota3A_359, %add3A_358 : vector<256x2048xi32>
    %and3A_364 = arith.andi %gt3A_362, %gt3A_363 : vector<256x2048xi1>
    %jit3A_365 = arith.constant 1.000000e+00 : f32
    %jit3A_366 = arith.constant 0.000000e+00 : f32
    %broadcast_in_dim3A_367 = vector.broadcast %jit3A_365 : f32 to vector<256x2048xf32>
    %broadcast_in_dim3A_368 = vector.broadcast %jit3A_366 : f32 to vector<256x2048xf32>
    %select_n3A_369 = arith.select %and3A_364, %broadcast_in_dim3A_367, %broadcast_in_dim3A_368 : vector<256x2048xi1>, vector<256x2048xf32>
    %swap3A_370 = arith.constant 1280 : index
    %swap3A_371 = arith.constant 0 : index
    %swap3A_372 = vector.load %arg5[%swap3A_370, %swap3A_371] : memref<2048x2048xf32, #tpu.memory_space<vmem>>, vector<256x2048xf32>
    tpu.vector_store %arg5[%swap3A_370, %swap3A_371], %select_n3A_369 {strides = array<i32>} : memref<2048x2048xf32, #tpu.memory_space<vmem>>, vector<256x2048xf32>,
    %get3A_373 = arith.constant 1536 : index
    %get3A_374 = arith.constant 0 : index
    %get3A_375 = vector.load %arg1[%get3A_373, %get3A_374] : memref<2048x4xf32, #tpu.memory_space<vmem>>, vector<256x1xf32>
    %get3A_376 = arith.constant 1536 : index
    %get3A_377 = arith.constant 1 : index
    %get3A_378 = vector.load %arg1[%get3A_376, %get3A_377] : memref<2048x4xf32, #tpu.memory_space<vmem>>, vector<256x1xf32>
    %get3A_379 = arith.constant 1536 : index
    %get3A_380 = arith.constant 2 : index
    %get3A_381 = vector.load %arg1[%get3A_379, %get3A_380] : memref<2048x4xf32, #tpu.memory_space<vmem>>, vector<256x1xf32>
    %get3A_382 = arith.constant 1536 : index
    %get3A_383 = arith.constant 3 : index
    %get3A_384 = vector.load %arg1[%get3A_382, %get3A_383] : memref<2048x4xf32, #tpu.memory_space<vmem>>, vector<256x1xf32>
    %sub3A_385 = arith.subf %get3A_381, %get3A_375 : vector<256x1xf32>
    %sub3A_386 = arith.subf %get3A_384, %get3A_378 : vector<256x1xf32>
    %mul3A_387 = arith.mulf %sub3A_385, %sub3A_386 : vector<256x1xf32>
    %min3A_388 = vector.broadcast %get3A_381 : vector<256x1xf32> to vector<256x2048xf32>
    %min3A_389 = vector.broadcast %get3A_7 : vector<1x2048xf32> to vector<256x2048xf32>
    %min3A_390 = arith.minimumf %min3A_388, %min3A_389 : vector<256x2048xf32>
    %max3A_391 = vector.broadcast %get3A_375 : vector<256x1xf32> to vector<256x2048xf32>
    %max3A_392 = vector.broadcast %get3A_1 : vector<1x2048xf32> to vector<256x2048xf32>
    %max3A_393 = arith.maximumf %max3A_391, %max3A_392 : vector<256x2048xf32>
    %sub3A_394 = arith.subf %min3A_390, %max3A_393 : vector<256x2048xf32>
    %jit3A_395 = arith.constant 0.000000e+00 : f32
    %max3A_396 = vector.broadcast %jit3A_395 : f32 to vector<256x2048xf32>
    %max3A_397 = arith.maximumf %max3A_396, %sub3A_394 : vector<256x2048xf32>
    %min3A_398 = vector.broadcast %get3A_384 : vector<256x1xf32> to vector<256x2048xf32>
    %min3A_399 = vector.broadcast %get3A_10 : vector<1x2048xf32> to vector<256x2048xf32>
    %min3A_400 = arith.minimumf %min3A_398, %min3A_399 : vector<256x2048xf32>
    %max3A_401 = vector.broadcast %get3A_378 : vector<256x1xf32> to vector<256x2048xf32>
    %max3A_402 = vector.broadcast %get3A_4 : vector<1x2048xf32> to vector<256x2048xf32>
    %max3A_403 = arith.maximumf %max3A_401, %max3A_402 : vector<256x2048xf32>
    %sub3A_404 = arith.subf %min3A_400, %max3A_403 : vector<256x2048xf32>
    %jit3A_405 = arith.constant 0.000000e+00 : f32
    %max3A_406 = vector.broadcast %jit3A_405 : f32 to vector<256x2048xf32>
    %max3A_407 = arith.maximumf %max3A_406, %sub3A_404 : vector<256x2048xf32>
    %mul3A_408 = arith.mulf %max3A_397, %max3A_407 : vector<256x2048xf32>
    %add3A_409 = vector.broadcast %mul3A_387 : vector<256x1xf32> to vector<256x2048xf32>
    %add3A_410 = vector.broadcast %mul3A : vector<1x2048xf32> to vector<256x2048xf32>
    %add3A_411 = arith.addf %add3A_409, %add3A_410 : vector<256x2048xf32>
    %sub3A_412 = arith.subf %add3A_411, %mul3A_408 : vector<256x2048xf32>
    %add3A_413 = arith.constant 9.99999971E-10 : f32
    %add3A_414 = vector.broadcast %add3A_413 : f32 to vector<256x2048xf32>
    %add3A_415 = arith.addf %sub3A_412, %add3A_414 : vector<256x2048xf32>
    %div3A_416 = arith.divf %mul3A_408, %add3A_415 : vector<256x2048xf32>
    %iota3A_417 = tpu.iota {dimensions = array<i32: 0>} : vector<256x2048xi32>
    %add3A_418 = arith.constant 1536 : i32
    %add3A_419 = vector.broadcast %add3A_418 : i32 to vector<256x2048xi32>
    %add3A_420 = arith.addi %iota3A_417, %add3A_419 : vector<256x2048xi32>
    %iota3A_421 = tpu.iota {dimensions = array<i32: 1>} : vector<256x2048xi32>
    %gt3A_422 = arith.constant 0.699999988 : f32
    %gt3A_423 = vector.broadcast %gt3A_422 : f32 to vector<256x2048xf32>
    %gt3A_424 = arith.cmpf ogt, %div3A_416, %gt3A_423 : vector<256x2048xf32>
    %gt3A_425 = arith.cmpi sgt, %iota3A_421, %add3A_420 : vector<256x2048xi32>
    %and3A_426 = arith.andi %gt3A_424, %gt3A_425 : vector<256x2048xi1>
    %jit3A_427 = arith.constant 1.000000e+00 : f32
    %jit3A_428 = arith.constant 0.000000e+00 : f32
    %broadcast_in_dim3A_429 = vector.broadcast %jit3A_427 : f32 to vector<256x2048xf32>
    %broadcast_in_dim3A_430 = vector.broadcast %jit3A_428 : f32 to vector<256x2048xf32>
    %select_n3A_431 = arith.select %and3A_426, %broadcast_in_dim3A_429, %broadcast_in_dim3A_430 : vector<256x2048xi1>, vector<256x2048xf32>
    %swap3A_432 = arith.constant 1536 : index
    %swap3A_433 = arith.constant 0 : index
    %swap3A_434 = vector.load %arg5[%swap3A_432, %swap3A_433] : memref<2048x2048xf32, #tpu.memory_space<vmem>>, vector<256x2048xf32>
    tpu.vector_store %arg5[%swap3A_432, %swap3A_433], %select_n3A_431 {strides = array<i32>} : memref<2048x2048xf32, #tpu.memory_space<vmem>>, vector<256x2048xf32>,
    %get3A_435 = arith.constant 1792 : index
    %get3A_436 = arith.constant 0 : index
    %get3A_437 = vector.load %arg1[%get3A_435, %get3A_436] : memref<2048x4xf32, #tpu.memory_space<vmem>>, vector<256x1xf32>
    %get3A_438 = arith.constant 1792 : index
    %get3A_439 = arith.constant 1 : index
    %get3A_440 = vector.load %arg1[%get3A_438, %get3A_439] : memref<2048x4xf32, #tpu.memory_space<vmem>>, vector<256x1xf32>
    %get3A_441 = arith.constant 1792 : index
    %get3A_442 = arith.constant 2 : index
    %get3A_443 = vector.load %arg1[%get3A_441, %get3A_442] : memref<2048x4xf32, #tpu.memory_space<vmem>>, vector<256x1xf32>
    %get3A_444 = arith.constant 1792 : index
    %get3A_445 = arith.constant 3 : index
    %get3A_446 = vector.load %arg1[%get3A_444, %get3A_445] : memref<2048x4xf32, #tpu.memory_space<vmem>>, vector<256x1xf32>
    %sub3A_447 = arith.subf %get3A_443, %get3A_437 : vector<256x1xf32>
    %sub3A_448 = arith.subf %get3A_446, %get3A_440 : vector<256x1xf32>
    %mul3A_449 = arith.mulf %sub3A_447, %sub3A_448 : vector<256x1xf32>
    %min3A_450 = vector.broadcast %get3A_443 : vector<256x1xf32> to vector<256x2048xf32>
    %min3A_451 = vector.broadcast %get3A_7 : vector<1x2048xf32> to vector<256x2048xf32>
    %min3A_452 = arith.minimumf %min3A_450, %min3A_451 : vector<256x2048xf32>
    %max3A_453 = vector.broadcast %get3A_437 : vector<256x1xf32> to vector<256x2048xf32>
    %max3A_454 = vector.broadcast %get3A_1 : vector<1x2048xf32> to vector<256x2048xf32>
    %max3A_455 = arith.maximumf %max3A_453, %max3A_454 : vector<256x2048xf32>
    %sub3A_456 = arith.subf %min3A_452, %max3A_455 : vector<256x2048xf32>
    %jit3A_457 = arith.constant 0.000000e+00 : f32
    %max3A_458 = vector.broadcast %jit3A_457 : f32 to vector<256x2048xf32>
    %max3A_459 = arith.maximumf %max3A_458, %sub3A_456 : vector<256x2048xf32>
    %min3A_460 = vector.broadcast %get3A_446 : vector<256x1xf32> to vector<256x2048xf32>
    %min3A_461 = vector.broadcast %get3A_10 : vector<1x2048xf32> to vector<256x2048xf32>
    %min3A_462 = arith.minimumf %min3A_460, %min3A_461 : vector<256x2048xf32>
    %max3A_463 = vector.broadcast %get3A_440 : vector<256x1xf32> to vector<256x2048xf32>
    %max3A_464 = vector.broadcast %get3A_4 : vector<1x2048xf32> to vector<256x2048xf32>
    %max3A_465 = arith.maximumf %max3A_463, %max3A_464 : vector<256x2048xf32>
    %sub3A_466 = arith.subf %min3A_462, %max3A_465 : vector<256x2048xf32>
    %jit3A_467 = arith.constant 0.000000e+00 : f32
    %max3A_468 = vector.broadcast %jit3A_467 : f32 to vector<256x2048xf32>
    %max3A_469 = arith.maximumf %max3A_468, %sub3A_466 : vector<256x2048xf32>
    %mul3A_470 = arith.mulf %max3A_459, %max3A_469 : vector<256x2048xf32>
    %add3A_471 = vector.broadcast %mul3A_449 : vector<256x1xf32> to vector<256x2048xf32>
    %add3A_472 = vector.broadcast %mul3A : vector<1x2048xf32> to vector<256x2048xf32>
    %add3A_473 = arith.addf %add3A_471, %add3A_472 : vector<256x2048xf32>
    %sub3A_474 = arith.subf %add3A_473, %mul3A_470 : vector<256x2048xf32>
    %add3A_475 = arith.constant 9.99999971E-10 : f32
    %add3A_476 = vector.broadcast %add3A_475 : f32 to vector<256x2048xf32>
    %add3A_477 = arith.addf %sub3A_474, %add3A_476 : vector<256x2048xf32>
    %div3A_478 = arith.divf %mul3A_470, %add3A_477 : vector<256x2048xf32>
    %iota3A_479 = tpu.iota {dimensions = array<i32: 0>} : vector<256x2048xi32>
    %add3A_480 = arith.constant 1792 : i32
    %add3A_481 = vector.broadcast %add3A_480 : i32 to vector<256x2048xi32>
    %add3A_482 = arith.addi %iota3A_479, %add3A_481 : vector<256x2048xi32>
    %iota3A_483 = tpu.iota {dimensions = array<i32: 1>} : vector<256x2048xi32>
    %gt3A_484 = arith.constant 0.699999988 : f32
    %gt3A_485 = vector.broadcast %gt3A_484 : f32 to vector<256x2048xf32>
    %gt3A_486 = arith.cmpf ogt, %div3A_478, %gt3A_485 : vector<256x2048xf32>
    %gt3A_487 = arith.cmpi sgt, %iota3A_483, %add3A_482 : vector<256x2048xi32>
    %and3A_488 = arith.andi %gt3A_486, %gt3A_487 : vector<256x2048xi1>
    %jit3A_489 = arith.constant 1.000000e+00 : f32
    %jit3A_490 = arith.constant 0.000000e+00 : f32
    %broadcast_in_dim3A_491 = vector.broadcast %jit3A_489 : f32 to vector<256x2048xf32>
    %broadcast_in_dim3A_492 = vector.broadcast %jit3A_490 : f32 to vector<256x2048xf32>
    %select_n3A_493 = arith.select %and3A_488, %broadcast_in_dim3A_491, %broadcast_in_dim3A_492 : vector<256x2048xi1>, vector<256x2048xf32>
    %swap3A_494 = arith.constant 1792 : index
    %swap3A_495 = arith.constant 0 : index
    %swap3A_496 = vector.load %arg5[%swap3A_494, %swap3A_495] : memref<2048x2048xf32, #tpu.memory_space<vmem>>, vector<256x2048xf32>
    tpu.vector_store %arg5[%swap3A_494, %swap3A_495], %select_n3A_493 {strides = array<i32>} : memref<2048x2048xf32, #tpu.memory_space<vmem>>, vector<256x2048xf32>,
    %iota3A_497 = tpu.iota {dimensions = array<i32: 1>} : vector<1x2048xi32>
    %lt3A = arith.constant 2000 : i32
    %lt3A_498 = vector.broadcast %lt3A : i32 to vector<1x2048xi32>
    %lt3A_499 = arith.cmpi slt, %iota3A_497, %lt3A_498 : vector<1x2048xi32>
    %jit3A_500 = arith.constant 1.000000e+00 : f32
    %jit3A_501 = arith.constant 0.000000e+00 : f32
    %broadcast_in_dim3A_502 = vector.broadcast %jit3A_500 : f32 to vector<1x2048xf32>
    %broadcast_in_dim3A_503 = vector.broadcast %jit3A_501 : f32 to vector<1x2048xf32>
    %select_n3A_504 = arith.select %lt3A_499, %broadcast_in_dim3A_502, %broadcast_in_dim3A_503 : vector<1x2048xi1>, vector<1x2048xf32>
    %iota3A_505 = tpu.iota {dimensions = array<i32: 1>} : vector<8x2048xi32>
    %iota3A_506 = tpu.iota {dimensions = array<i32: 0>} : vector<8x1xi32>
    %scan3A = arith.constant 0 : i32
    %scan3A_507 = arith.constant 250 : i32
    %scan3A_508 = arith.addi %scan3A, %scan3A_507 : i32
    %scan3A_509 = arith.constant 1 : i32
    %scan3A_510 = scf.for %scan3A_688 = %scan3A to %scan3A_508 step %scan3A_509 iter_args(%scan3A_689 = %select_n3A_504) -> (vector<1x2048xf32>)  : i32 {
      %mul3A_690 = arith.constant 8 : i32
      %mul3A_691 = arith.muli %scan3A_688, %mul3A_690 : i32
      %multiple_of3A = tpu.assume_multiple %mul3A_691, 8 : i32
      %get3A_692 = arith.index_cast %multiple_of3A : i32 to index
      %get3A_693 = arith.constant 0 : index
      %get3A_694 = vector.load %arg5[%get3A_692, %get3A_693] : memref<2048x2048xf32, #tpu.memory_space<vmem>>, vector<8x2048xf32>
      %mul3A_695 = arith.constant 8 : i32
      %mul3A_696 = arith.muli %scan3A_688, %mul3A_695 : i32
      %add3A_697 = vector.broadcast %mul3A_696 : i32 to vector<8x1xi32>
      %add3A_698 = arith.addi %add3A_697, %iota3A_506 : vector<8x1xi32>
      %eq3A_699 = vector.broadcast %add3A_698 : vector<8x1xi32> to vector<8x2048xi32>
      %eq3A_700 = arith.cmpi eq, %iota3A_505, %eq3A_699 : vector<8x2048xi32>
      %jit3A_701 = arith.constant 1.000000e+00 : f32
      %jit3A_702 = arith.constant 0.000000e+00 : f32
      %broadcast_in_dim3A_703 = vector.broadcast %jit3A_701 : f32 to vector<8x2048xf32>
      %broadcast_in_dim3A_704 = vector.broadcast %jit3A_702 : f32 to vector<8x2048xf32>
      %select_n3A_705 = arith.select %eq3A_700, %broadcast_in_dim3A_703, %broadcast_in_dim3A_704 : vector<8x2048xi1>, vector<8x2048xf32>
      %dot_general3A = arith.constant dense<0.000000e+00> : vector<1x8xf32>
      %dot_general3A_706 = tpu.matmul %scan3A_689, %select_n3A_705, %dot_general3A {dimension_numbers = #tpu.dot_dimension_numbers<[1], [1], [0], [0], [0, 0, 1, 0], [], []>, transpose_lhs_hint = false} : vector<1x2048xf32>, vector<8x2048xf32>, vector<1x8xf32> -> vector<1x8xf32>
      %dot_general3A_707 = arith.constant dense<0.000000e+00> : vector<8x8xf32>
      %dot_general3A_708 = tpu.matmul %get3A_694, %select_n3A_705, %dot_general3A_707 {dimension_numbers = #tpu.dot_dimension_numbers<[1], [1], [0], [0], [0, 0, 1, 0], [], []>, transpose_lhs_hint = false} : vector<8x2048xf32>, vector<8x2048xf32>, vector<8x8xf32> -> vector<8x8xf32>
      %slice3A_709 = vector.extract_strided_slice %dot_general3A_706 {offsets = [0, 0], sizes = [1, 1], strides = [1, 1]} : vector<1x8xf32> to vector<1x1xf32>
      %slice3A_710 = vector.extract_strided_slice %dot_general3A_708 {offsets = [0, 0], sizes = [1, 8], strides = [1, 1]} : vector<8x8xf32> to vector<1x8xf32>
      %mul3A_711 = vector.broadcast %slice3A_709 : vector<1x1xf32> to vector<1x8xf32>
      %mul3A_712 = arith.mulf %slice3A_710, %mul3A_711 : vector<1x8xf32>
      %sub3A_713 = arith.constant 1.000000e+00 : f32
      %sub3A_714 = vector.broadcast %sub3A_713 : f32 to vector<1x8xf32>
      %sub3A_715 = arith.subf %sub3A_714, %mul3A_712 : vector<1x8xf32>
      %mul3A_716 = arith.mulf %dot_general3A_706, %sub3A_715 : vector<1x8xf32>
      %slice3A_717 = vector.extract_strided_slice %mul3A_716 {offsets = [0, 1], sizes = [1, 1], strides = [1, 1]} : vector<1x8xf32> to vector<1x1xf32>
      %slice3A_718 = vector.extract_strided_slice %dot_general3A_708 {offsets = [1, 0], sizes = [1, 8], strides = [1, 1]} : vector<8x8xf32> to vector<1x8xf32>
      %mul3A_719 = vector.broadcast %slice3A_717 : vector<1x1xf32> to vector<1x8xf32>
      %mul3A_720 = arith.mulf %slice3A_718, %mul3A_719 : vector<1x8xf32>
      %sub3A_721 = arith.constant 1.000000e+00 : f32
      %sub3A_722 = vector.broadcast %sub3A_721 : f32 to vector<1x8xf32>
      %sub3A_723 = arith.subf %sub3A_722, %mul3A_720 : vector<1x8xf32>
      %mul3A_724 = arith.mulf %mul3A_716, %sub3A_723 : vector<1x8xf32>
      %slice3A_725 = vector.extract_strided_slice %mul3A_724 {offsets = [0, 2], sizes = [1, 1], strides = [1, 1]} : vector<1x8xf32> to vector<1x1xf32>
      %slice3A_726 = vector.extract_strided_slice %dot_general3A_708 {offsets = [2, 0], sizes = [1, 8], strides = [1, 1]} : vector<8x8xf32> to vector<1x8xf32>
      %mul3A_727 = vector.broadcast %slice3A_725 : vector<1x1xf32> to vector<1x8xf32>
      %mul3A_728 = arith.mulf %slice3A_726, %mul3A_727 : vector<1x8xf32>
      %sub3A_729 = arith.constant 1.000000e+00 : f32
      %sub3A_730 = vector.broadcast %sub3A_729 : f32 to vector<1x8xf32>
      %sub3A_731 = arith.subf %sub3A_730, %mul3A_728 : vector<1x8xf32>
      %mul3A_732 = arith.mulf %mul3A_724, %sub3A_731 : vector<1x8xf32>
      %slice3A_733 = vector.extract_strided_slice %mul3A_732 {offsets = [0, 3], sizes = [1, 1], strides = [1, 1]} : vector<1x8xf32> to vector<1x1xf32>
      %slice3A_734 = vector.extract_strided_slice %dot_general3A_708 {offsets = [3, 0], sizes = [1, 8], strides = [1, 1]} : vector<8x8xf32> to vector<1x8xf32>
      %mul3A_735 = vector.broadcast %slice3A_733 : vector<1x1xf32> to vector<1x8xf32>
      %mul3A_736 = arith.mulf %slice3A_734, %mul3A_735 : vector<1x8xf32>
      %sub3A_737 = arith.constant 1.000000e+00 : f32
      %sub3A_738 = vector.broadcast %sub3A_737 : f32 to vector<1x8xf32>
      %sub3A_739 = arith.subf %sub3A_738, %mul3A_736 : vector<1x8xf32>
      %mul3A_740 = arith.mulf %mul3A_732, %sub3A_739 : vector<1x8xf32>
      %slice3A_741 = vector.extract_strided_slice %mul3A_740 {offsets = [0, 4], sizes = [1, 1], strides = [1, 1]} : vector<1x8xf32> to vector<1x1xf32>
      %slice3A_742 = vector.extract_strided_slice %dot_general3A_708 {offsets = [4, 0], sizes = [1, 8], strides = [1, 1]} : vector<8x8xf32> to vector<1x8xf32>
      %mul3A_743 = vector.broadcast %slice3A_741 : vector<1x1xf32> to vector<1x8xf32>
      %mul3A_744 = arith.mulf %slice3A_742, %mul3A_743 : vector<1x8xf32>
      %sub3A_745 = arith.constant 1.000000e+00 : f32
      %sub3A_746 = vector.broadcast %sub3A_745 : f32 to vector<1x8xf32>
      %sub3A_747 = arith.subf %sub3A_746, %mul3A_744 : vector<1x8xf32>
      %mul3A_748 = arith.mulf %mul3A_740, %sub3A_747 : vector<1x8xf32>
      %slice3A_749 = vector.extract_strided_slice %mul3A_748 {offsets = [0, 5], sizes = [1, 1], strides = [1, 1]} : vector<1x8xf32> to vector<1x1xf32>
      %slice3A_750 = vector.extract_strided_slice %dot_general3A_708 {offsets = [5, 0], sizes = [1, 8], strides = [1, 1]} : vector<8x8xf32> to vector<1x8xf32>
      %mul3A_751 = vector.broadcast %slice3A_749 : vector<1x1xf32> to vector<1x8xf32>
      %mul3A_752 = arith.mulf %slice3A_750, %mul3A_751 : vector<1x8xf32>
      %sub3A_753 = arith.constant 1.000000e+00 : f32
      %sub3A_754 = vector.broadcast %sub3A_753 : f32 to vector<1x8xf32>
      %sub3A_755 = arith.subf %sub3A_754, %mul3A_752 : vector<1x8xf32>
      %mul3A_756 = arith.mulf %mul3A_748, %sub3A_755 : vector<1x8xf32>
      %slice3A_757 = vector.extract_strided_slice %mul3A_756 {offsets = [0, 6], sizes = [1, 1], strides = [1, 1]} : vector<1x8xf32> to vector<1x1xf32>
      %slice3A_758 = vector.extract_strided_slice %dot_general3A_708 {offsets = [6, 0], sizes = [1, 8], strides = [1, 1]} : vector<8x8xf32> to vector<1x8xf32>
      %mul3A_759 = vector.broadcast %slice3A_757 : vector<1x1xf32> to vector<1x8xf32>
      %mul3A_760 = arith.mulf %slice3A_758, %mul3A_759 : vector<1x8xf32>
      %sub3A_761 = arith.constant 1.000000e+00 : f32
      %sub3A_762 = vector.broadcast %sub3A_761 : f32 to vector<1x8xf32>
      %sub3A_763 = arith.subf %sub3A_762, %mul3A_760 : vector<1x8xf32>
      %mul3A_764 = arith.mulf %mul3A_756, %sub3A_763 : vector<1x8xf32>
      %slice3A_765 = vector.extract_strided_slice %mul3A_764 {offsets = [0, 7], sizes = [1, 1], strides = [1, 1]} : vector<1x8xf32> to vector<1x1xf32>
      %slice3A_766 = vector.extract_strided_slice %dot_general3A_708 {offsets = [7, 0], sizes = [1, 8], strides = [1, 1]} : vector<8x8xf32> to vector<1x8xf32>
      %mul3A_767 = vector.broadcast %slice3A_765 : vector<1x1xf32> to vector<1x8xf32>
      %mul3A_768 = arith.mulf %slice3A_766, %mul3A_767 : vector<1x8xf32>
      %sub3A_769 = arith.constant 1.000000e+00 : f32
      %sub3A_770 = vector.broadcast %sub3A_769 : f32 to vector<1x8xf32>
      %sub3A_771 = arith.subf %sub3A_770, %mul3A_768 : vector<1x8xf32>
      %mul3A_772 = arith.mulf %mul3A_764, %sub3A_771 : vector<1x8xf32>
      %dot_general3A_773 = arith.constant dense<0.000000e+00> : vector<1x2048xf32>
      %dot_general3A_774 = tpu.matmul %mul3A_772, %get3A_694, %dot_general3A_773 {dimension_numbers = #tpu.dot_dimension_numbers<[1], [0], [0], [1], [0, 0, 1, 1], [], []>, transpose_lhs_hint = false} : vector<1x8xf32>, vector<8x2048xf32>, vector<1x2048xf32> -> vector<1x2048xf32>
      %gt3A_775 = arith.constant 0.000000e+00 : f32
      %gt3A_776 = vector.broadcast %gt3A_775 : f32 to vector<1x2048xf32>
      %gt3A_777 = arith.cmpf ogt, %dot_general3A_774, %gt3A_776 : vector<1x2048xf32>
      %jit3A_778 = arith.constant 0.000000e+00 : f32
      %jit3A_779 = arith.constant 1.000000e+00 : f32
      %broadcast_in_dim3A_780 = vector.broadcast %jit3A_778 : f32 to vector<1x2048xf32>
      %broadcast_in_dim3A_781 = vector.broadcast %jit3A_779 : f32 to vector<1x2048xf32>
      %select_n3A_782 = arith.select %gt3A_777, %broadcast_in_dim3A_780, %broadcast_in_dim3A_781 : vector<1x2048xi1>, vector<1x2048xf32>
      %mul3A_783 = arith.mulf %scan3A_689, %select_n3A_782 : vector<1x2048xf32>
      scf.yield %mul3A_783 : vector<1x2048xf32>
    }
    %scan3A_511 = arith.constant 250 : i32
    %swap3A_512 = arith.constant 0 : index
    %swap3A_513 = arith.constant 0 : index
    %swap3A_514 = vector.load %arg6[%swap3A_512, %swap3A_513] : memref<1x2048xf32, #tpu.memory_space<vmem>>, vector<1x2048xf32>
    tpu.vector_store %arg6[%swap3A_512, %swap3A_513], %scan3A_510 {strides = array<i32>} : memref<1x2048xf32, #tpu.memory_space<vmem>>, vector<1x2048xf32>,
    %get3A_515 = arith.constant 0 : index
    %get3A_516 = arith.constant 0 : index
    %get3A_517 = vector.load %arg6[%get3A_515, %get3A_516] : memref<1x2048xf32, #tpu.memory_space<vmem>>, vector<1x2048xf32>
    %get3A_518 = arith.constant 0 : index
    %get3A_519 = arith.constant 0 : index
    %get3A_520 = vector.load %arg2[%get3A_518, %get3A_519] : memref<1x2048xf32, #tpu.memory_space<vmem>>, vector<1x2048xf32>
    %mul3A_521 = arith.mulf %get3A_520, %get3A_517 : vector<1x2048xf32>
    %sub3A_522 = arith.constant 1.000000e+00 : f32
    %sub3A_523 = vector.broadcast %sub3A_522 : f32 to vector<1x2048xf32>
    %sub3A_524 = arith.subf %sub3A_523, %get3A_517 : vector<1x2048xf32>
    %sub3A_525 = arith.subf %mul3A_521, %sub3A_524 : vector<1x2048xf32>
    %broadcast_in_dim3A_526 = arith.constant 0.000000e+00 : f32
    %broadcast_in_dim3A_527 = vector.broadcast %broadcast_in_dim3A_526 : f32 to vector<1x1xf32>
    %slice3A = vector.extract_strided_slice %get3A_517 {offsets = [0, 0], sizes = [1, 2047], strides = [1, 1]} : vector<1x2048xf32> to vector<1x2047xf32>
    %concatenate3A = tpu.concatenate %broadcast_in_dim3A_527, %slice3A in 1 : vector<1x1xf32>, vector<1x2047xf32> -> vector<1x2048xf32>
    %add3A_528 = arith.addf %get3A_517, %concatenate3A : vector<1x2048xf32>
    %broadcast_in_dim3A_529 = arith.constant 0.000000e+00 : f32
    %broadcast_in_dim3A_530 = vector.broadcast %broadcast_in_dim3A_529 : f32 to vector<1x2xf32>
    %slice3A_531 = vector.extract_strided_slice %add3A_528 {offsets = [0, 0], sizes = [1, 2046], strides = [1, 1]} : vector<1x2048xf32> to vector<1x2046xf32>
    %concatenate3A_532 = tpu.concatenate %broadcast_in_dim3A_530, %slice3A_531 in 1 : vector<1x2xf32>, vector<1x2046xf32> -> vector<1x2048xf32>
    %add3A_533 = arith.addf %add3A_528, %concatenate3A_532 : vector<1x2048xf32>
    %broadcast_in_dim3A_534 = arith.constant 0.000000e+00 : f32
    %broadcast_in_dim3A_535 = vector.broadcast %broadcast_in_dim3A_534 : f32 to vector<1x4xf32>
    %slice3A_536 = vector.extract_strided_slice %add3A_533 {offsets = [0, 0], sizes = [1, 2044], strides = [1, 1]} : vector<1x2048xf32> to vector<1x2044xf32>
    %concatenate3A_537 = tpu.concatenate %broadcast_in_dim3A_535, %slice3A_536 in 1 : vector<1x4xf32>, vector<1x2044xf32> -> vector<1x2048xf32>
    %add3A_538 = arith.addf %add3A_533, %concatenate3A_537 : vector<1x2048xf32>
    %broadcast_in_dim3A_539 = arith.constant 0.000000e+00 : f32
    %broadcast_in_dim3A_540 = vector.broadcast %broadcast_in_dim3A_539 : f32 to vector<1x8xf32>
    %slice3A_541 = vector.extract_strided_slice %add3A_538 {offsets = [0, 0], sizes = [1, 2040], strides = [1, 1]} : vector<1x2048xf32> to vector<1x2040xf32>
    %concatenate3A_542 = tpu.concatenate %broadcast_in_dim3A_540, %slice3A_541 in 1 : vector<1x8xf32>, vector<1x2040xf32> -> vector<1x2048xf32>
    %add3A_543 = arith.addf %add3A_538, %concatenate3A_542 : vector<1x2048xf32>
    %broadcast_in_dim3A_544 = arith.constant 0.000000e+00 : f32
    %broadcast_in_dim3A_545 = vector.broadcast %broadcast_in_dim3A_544 : f32 to vector<1x16xf32>
    %slice3A_546 = vector.extract_strided_slice %add3A_543 {offsets = [0, 0], sizes = [1, 2032], strides = [1, 1]} : vector<1x2048xf32> to vector<1x2032xf32>
    %concatenate3A_547 = tpu.concatenate %broadcast_in_dim3A_545, %slice3A_546 in 1 : vector<1x16xf32>, vector<1x2032xf32> -> vector<1x2048xf32>
    %add3A_548 = arith.addf %add3A_543, %concatenate3A_547 : vector<1x2048xf32>
    %broadcast_in_dim3A_549 = arith.constant 0.000000e+00 : f32
    %broadcast_in_dim3A_550 = vector.broadcast %broadcast_in_dim3A_549 : f32 to vector<1x32xf32>
    %slice3A_551 = vector.extract_strided_slice %add3A_548 {offsets = [0, 0], sizes = [1, 2016], strides = [1, 1]} : vector<1x2048xf32> to vector<1x2016xf32>
    %concatenate3A_552 = tpu.concatenate %broadcast_in_dim3A_550, %slice3A_551 in 1 : vector<1x32xf32>, vector<1x2016xf32> -> vector<1x2048xf32>
    %add3A_553 = arith.addf %add3A_548, %concatenate3A_552 : vector<1x2048xf32>
    %broadcast_in_dim3A_554 = arith.constant 0.000000e+00 : f32
    %broadcast_in_dim3A_555 = vector.broadcast %broadcast_in_dim3A_554 : f32 to vector<1x64xf32>
    %slice3A_556 = vector.extract_strided_slice %add3A_553 {offsets = [0, 0], sizes = [1, 1984], strides = [1, 1]} : vector<1x2048xf32> to vector<1x1984xf32>
    %concatenate3A_557 = tpu.concatenate %broadcast_in_dim3A_555, %slice3A_556 in 1 : vector<1x64xf32>, vector<1x1984xf32> -> vector<1x2048xf32>
    %add3A_558 = arith.addf %add3A_553, %concatenate3A_557 : vector<1x2048xf32>
    %broadcast_in_dim3A_559 = arith.constant 0.000000e+00 : f32
    %broadcast_in_dim3A_560 = vector.broadcast %broadcast_in_dim3A_559 : f32 to vector<1x128xf32>
    %slice3A_561 = vector.extract_strided_slice %add3A_558 {offsets = [0, 0], sizes = [1, 1920], strides = [1, 1]} : vector<1x2048xf32> to vector<1x1920xf32>
    %concatenate3A_562 = tpu.concatenate %broadcast_in_dim3A_560, %slice3A_561 in 1 : vector<1x128xf32>, vector<1x1920xf32> -> vector<1x2048xf32>
    %add3A_563 = arith.addf %add3A_558, %concatenate3A_562 : vector<1x2048xf32>
    %broadcast_in_dim3A_564 = arith.constant 0.000000e+00 : f32
    %broadcast_in_dim3A_565 = vector.broadcast %broadcast_in_dim3A_564 : f32 to vector<1x256xf32>
    %slice3A_566 = vector.extract_strided_slice %add3A_563 {offsets = [0, 0], sizes = [1, 1792], strides = [1, 1]} : vector<1x2048xf32> to vector<1x1792xf32>
    %concatenate3A_567 = tpu.concatenate %broadcast_in_dim3A_565, %slice3A_566 in 1 : vector<1x256xf32>, vector<1x1792xf32> -> vector<1x2048xf32>
    %add3A_568 = arith.addf %add3A_563, %concatenate3A_567 : vector<1x2048xf32>
    %broadcast_in_dim3A_569 = arith.constant 0.000000e+00 : f32
    %broadcast_in_dim3A_570 = vector.broadcast %broadcast_in_dim3A_569 : f32 to vector<1x512xf32>
    %slice3A_571 = vector.extract_strided_slice %add3A_568 {offsets = [0, 0], sizes = [1, 1536], strides = [1, 1]} : vector<1x2048xf32> to vector<1x1536xf32>
    %concatenate3A_572 = tpu.concatenate %broadcast_in_dim3A_570, %slice3A_571 in 1 : vector<1x512xf32>, vector<1x1536xf32> -> vector<1x2048xf32>
    %add3A_573 = arith.addf %add3A_568, %concatenate3A_572 : vector<1x2048xf32>
    %broadcast_in_dim3A_574 = arith.constant 0.000000e+00 : f32
    %broadcast_in_dim3A_575 = vector.broadcast %broadcast_in_dim3A_574 : f32 to vector<1x1024xf32>
    %slice3A_576 = vector.extract_strided_slice %add3A_573 {offsets = [0, 0], sizes = [1, 1024], strides = [1, 1]} : vector<1x2048xf32> to vector<1x1024xf32>
    %concatenate3A_577 = tpu.concatenate %broadcast_in_dim3A_575, %slice3A_576 in 1 : vector<1x1024xf32>, vector<1x1024xf32> -> vector<1x2048xf32>
    %add3A_578 = arith.addf %add3A_573, %concatenate3A_577 : vector<1x2048xf32>
    %sub3A_579 = arith.constant 1.000000e+00 : f32
    %sub3A_580 = vector.broadcast %sub3A_579 : f32 to vector<1x2048xf32>
    %sub3A_581 = arith.subf %sub3A_580, %get3A_517 : vector<1x2048xf32>
    %broadcast_in_dim3A_582 = arith.constant 0.000000e+00 : f32
    %broadcast_in_dim3A_583 = vector.broadcast %broadcast_in_dim3A_582 : f32 to vector<1x1xf32>
    %slice3A_584 = vector.extract_strided_slice %sub3A_581 {offsets = [0, 0], sizes = [1, 2047], strides = [1, 1]} : vector<1x2048xf32> to vector<1x2047xf32>
    %concatenate3A_585 = tpu.concatenate %broadcast_in_dim3A_583, %slice3A_584 in 1 : vector<1x1xf32>, vector<1x2047xf32> -> vector<1x2048xf32>
    %add3A_586 = arith.addf %sub3A_581, %concatenate3A_585 : vector<1x2048xf32>
    %broadcast_in_dim3A_587 = arith.constant 0.000000e+00 : f32
    %broadcast_in_dim3A_588 = vector.broadcast %broadcast_in_dim3A_587 : f32 to vector<1x2xf32>
    %slice3A_589 = vector.extract_strided_slice %add3A_586 {offsets = [0, 0], sizes = [1, 2046], strides = [1, 1]} : vector<1x2048xf32> to vector<1x2046xf32>
    %concatenate3A_590 = tpu.concatenate %broadcast_in_dim3A_588, %slice3A_589 in 1 : vector<1x2xf32>, vector<1x2046xf32> -> vector<1x2048xf32>
    %add3A_591 = arith.addf %add3A_586, %concatenate3A_590 : vector<1x2048xf32>
    %broadcast_in_dim3A_592 = arith.constant 0.000000e+00 : f32
    %broadcast_in_dim3A_593 = vector.broadcast %broadcast_in_dim3A_592 : f32 to vector<1x4xf32>
    %slice3A_594 = vector.extract_strided_slice %add3A_591 {offsets = [0, 0], sizes = [1, 2044], strides = [1, 1]} : vector<1x2048xf32> to vector<1x2044xf32>
    %concatenate3A_595 = tpu.concatenate %broadcast_in_dim3A_593, %slice3A_594 in 1 : vector<1x4xf32>, vector<1x2044xf32> -> vector<1x2048xf32>
    %add3A_596 = arith.addf %add3A_591, %concatenate3A_595 : vector<1x2048xf32>
    %broadcast_in_dim3A_597 = arith.constant 0.000000e+00 : f32
    %broadcast_in_dim3A_598 = vector.broadcast %broadcast_in_dim3A_597 : f32 to vector<1x8xf32>
    %slice3A_599 = vector.extract_strided_slice %add3A_596 {offsets = [0, 0], sizes = [1, 2040], strides = [1, 1]} : vector<1x2048xf32> to vector<1x2040xf32>
    %concatenate3A_600 = tpu.concatenate %broadcast_in_dim3A_598, %slice3A_599 in 1 : vector<1x8xf32>, vector<1x2040xf32> -> vector<1x2048xf32>
    %add3A_601 = arith.addf %add3A_596, %concatenate3A_600 : vector<1x2048xf32>
    %broadcast_in_dim3A_602 = arith.constant 0.000000e+00 : f32
    %broadcast_in_dim3A_603 = vector.broadcast %broadcast_in_dim3A_602 : f32 to vector<1x16xf32>
    %slice3A_604 = vector.extract_strided_slice %add3A_601 {offsets = [0, 0], sizes = [1, 2032], strides = [1, 1]} : vector<1x2048xf32> to vector<1x2032xf32>
    %concatenate3A_605 = tpu.concatenate %broadcast_in_dim3A_603, %slice3A_604 in 1 : vector<1x16xf32>, vector<1x2032xf32> -> vector<1x2048xf32>
    %add3A_606 = arith.addf %add3A_601, %concatenate3A_605 : vector<1x2048xf32>
    %broadcast_in_dim3A_607 = arith.constant 0.000000e+00 : f32
    %broadcast_in_dim3A_608 = vector.broadcast %broadcast_in_dim3A_607 : f32 to vector<1x32xf32>
    %slice3A_609 = vector.extract_strided_slice %add3A_606 {offsets = [0, 0], sizes = [1, 2016], strides = [1, 1]} : vector<1x2048xf32> to vector<1x2016xf32>
    %concatenate3A_610 = tpu.concatenate %broadcast_in_dim3A_608, %slice3A_609 in 1 : vector<1x32xf32>, vector<1x2016xf32> -> vector<1x2048xf32>
    %add3A_611 = arith.addf %add3A_606, %concatenate3A_610 : vector<1x2048xf32>
    %broadcast_in_dim3A_612 = arith.constant 0.000000e+00 : f32
    %broadcast_in_dim3A_613 = vector.broadcast %broadcast_in_dim3A_612 : f32 to vector<1x64xf32>
    %slice3A_614 = vector.extract_strided_slice %add3A_611 {offsets = [0, 0], sizes = [1, 1984], strides = [1, 1]} : vector<1x2048xf32> to vector<1x1984xf32>
    %concatenate3A_615 = tpu.concatenate %broadcast_in_dim3A_613, %slice3A_614 in 1 : vector<1x64xf32>, vector<1x1984xf32> -> vector<1x2048xf32>
    %add3A_616 = arith.addf %add3A_611, %concatenate3A_615 : vector<1x2048xf32>
    %broadcast_in_dim3A_617 = arith.constant 0.000000e+00 : f32
    %broadcast_in_dim3A_618 = vector.broadcast %broadcast_in_dim3A_617 : f32 to vector<1x128xf32>
    %slice3A_619 = vector.extract_strided_slice %add3A_616 {offsets = [0, 0], sizes = [1, 1920], strides = [1, 1]} : vector<1x2048xf32> to vector<1x1920xf32>
    %concatenate3A_620 = tpu.concatenate %broadcast_in_dim3A_618, %slice3A_619 in 1 : vector<1x128xf32>, vector<1x1920xf32> -> vector<1x2048xf32>
    %add3A_621 = arith.addf %add3A_616, %concatenate3A_620 : vector<1x2048xf32>
    %broadcast_in_dim3A_622 = arith.constant 0.000000e+00 : f32
    %broadcast_in_dim3A_623 = vector.broadcast %broadcast_in_dim3A_622 : f32 to vector<1x256xf32>
    %slice3A_624 = vector.extract_strided_slice %add3A_621 {offsets = [0, 0], sizes = [1, 1792], strides = [1, 1]} : vector<1x2048xf32> to vector<1x1792xf32>
    %concatenate3A_625 = tpu.concatenate %broadcast_in_dim3A_623, %slice3A_624 in 1 : vector<1x256xf32>, vector<1x1792xf32> -> vector<1x2048xf32>
    %add3A_626 = arith.addf %add3A_621, %concatenate3A_625 : vector<1x2048xf32>
    %broadcast_in_dim3A_627 = arith.constant 0.000000e+00 : f32
    %broadcast_in_dim3A_628 = vector.broadcast %broadcast_in_dim3A_627 : f32 to vector<1x512xf32>
    %slice3A_629 = vector.extract_strided_slice %add3A_626 {offsets = [0, 0], sizes = [1, 1536], strides = [1, 1]} : vector<1x2048xf32> to vector<1x1536xf32>
    %concatenate3A_630 = tpu.concatenate %broadcast_in_dim3A_628, %slice3A_629 in 1 : vector<1x512xf32>, vector<1x1536xf32> -> vector<1x2048xf32>
    %add3A_631 = arith.addf %add3A_626, %concatenate3A_630 : vector<1x2048xf32>
    %broadcast_in_dim3A_632 = arith.constant 0.000000e+00 : f32
    %broadcast_in_dim3A_633 = vector.broadcast %broadcast_in_dim3A_632 : f32 to vector<1x1024xf32>
    %slice3A_634 = vector.extract_strided_slice %add3A_631 {offsets = [0, 0], sizes = [1, 1024], strides = [1, 1]} : vector<1x2048xf32> to vector<1x1024xf32>
    %concatenate3A_635 = tpu.concatenate %broadcast_in_dim3A_633, %slice3A_634 in 1 : vector<1x1024xf32>, vector<1x1024xf32> -> vector<1x2048xf32>
    %add3A_636 = arith.addf %add3A_631, %concatenate3A_635 : vector<1x2048xf32>
    %slice3A_637 = vector.extract_strided_slice %add3A_578 {offsets = [0, 2047], sizes = [1, 1], strides = [1, 1]} : vector<1x2048xf32> to vector<1x1xf32>
    %gt3A_638 = arith.constant 0.000000e+00 : f32
    %gt3A_639 = vector.broadcast %gt3A_638 : f32 to vector<1x2048xf32>
    %gt3A_640 = arith.cmpf ogt, %get3A_517, %gt3A_639 : vector<1x2048xf32>
    %sub3A_641 = arith.constant 1.000000e+00 : f32
    %sub3A_642 = vector.broadcast %sub3A_641 : f32 to vector<1x2048xf32>
    %sub3A_643 = arith.subf %add3A_578, %sub3A_642 : vector<1x2048xf32>
    %add3A_644 = vector.broadcast %slice3A_637 : vector<1x1xf32> to vector<1x2048xf32>
    %add3A_645 = arith.addf %add3A_644, %add3A_636 : vector<1x2048xf32>
    %sub3A_646 = arith.constant 1.000000e+00 : f32
    %sub3A_647 = vector.broadcast %sub3A_646 : f32 to vector<1x2048xf32>
    %sub3A_648 = arith.subf %add3A_645, %sub3A_647 : vector<1x2048xf32>
    %select_n3A_649 = arith.select %gt3A_640, %sub3A_643, %sub3A_648 : vector<1x2048xi1>, vector<1x2048xf32>
    %iota3A_650 = tpu.iota {dimensions = array<i32: 0>} : vector<300x2048xi32>
    %convert_element_type3A = arith.sitofp %iota3A_650 : vector<300x2048xi32> to vector<300x2048xf32>
    %eq3A = vector.broadcast %select_n3A_649 : vector<1x2048xf32> to vector<300x2048xf32>
    %eq3A_651 = arith.cmpf oeq, %convert_element_type3A, %eq3A : vector<300x2048xf32>
    %jit3A_652 = arith.constant 1.000000e+00 : f32
    %jit3A_653 = arith.constant 0.000000e+00 : f32
    %broadcast_in_dim3A_654 = vector.broadcast %jit3A_652 : f32 to vector<300x2048xf32>
    %broadcast_in_dim3A_655 = vector.broadcast %jit3A_653 : f32 to vector<300x2048xf32>
    %select_n3A_656 = arith.select %eq3A_651, %broadcast_in_dim3A_654, %broadcast_in_dim3A_655 : vector<300x2048xi1>, vector<300x2048xf32>
    %mul3A_657 = vector.broadcast %get3A_1 : vector<1x2048xf32> to vector<300x2048xf32>
    %mul3A_658 = arith.mulf %select_n3A_656, %mul3A_657 : vector<300x2048xf32>
    %reduce_sum3A = arith.constant dense<0.000000e+00> : vector<300xf32>
    %reduce_sum3A_659 = vector.multi_reduction <add>, %mul3A_658, %reduce_sum3A [1] : vector<300x2048xf32> to vector<300xf32>
    %broadcast_in_dim3A_660 = vector.shape_cast %reduce_sum3A_659 : vector<300xf32> to vector<300x1xf32>
    %mul3A_661 = vector.broadcast %get3A_4 : vector<1x2048xf32> to vector<300x2048xf32>
    %mul3A_662 = arith.mulf %select_n3A_656, %mul3A_661 : vector<300x2048xf32>
    %reduce_sum3A_663 = arith.constant dense<0.000000e+00> : vector<300xf32>
    %reduce_sum3A_664 = vector.multi_reduction <add>, %mul3A_662, %reduce_sum3A_663 [1] : vector<300x2048xf32> to vector<300xf32>
    %broadcast_in_dim3A_665 = vector.shape_cast %reduce_sum3A_664 : vector<300xf32> to vector<300x1xf32>
    %mul3A_666 = vector.broadcast %get3A_7 : vector<1x2048xf32> to vector<300x2048xf32>
    %mul3A_667 = arith.mulf %select_n3A_656, %mul3A_666 : vector<300x2048xf32>
    %reduce_sum3A_668 = arith.constant dense<0.000000e+00> : vector<300xf32>
    %reduce_sum3A_669 = vector.multi_reduction <add>, %mul3A_667, %reduce_sum3A_668 [1] : vector<300x2048xf32> to vector<300xf32>
    %broadcast_in_dim3A_670 = vector.shape_cast %reduce_sum3A_669 : vector<300xf32> to vector<300x1xf32>
    %mul3A_671 = vector.broadcast %get3A_10 : vector<1x2048xf32> to vector<300x2048xf32>
    %mul3A_672 = arith.mulf %select_n3A_656, %mul3A_671 : vector<300x2048xf32>
    %reduce_sum3A_673 = arith.constant dense<0.000000e+00> : vector<300xf32>
    %reduce_sum3A_674 = vector.multi_reduction <add>, %mul3A_672, %reduce_sum3A_673 [1] : vector<300x2048xf32> to vector<300xf32>
    %broadcast_in_dim3A_675 = vector.shape_cast %reduce_sum3A_674 : vector<300xf32> to vector<300x1xf32>
    %concatenate3A_676 = tpu.concatenate %broadcast_in_dim3A_660, %broadcast_in_dim3A_665, %broadcast_in_dim3A_670, %broadcast_in_dim3A_675 in 1 : vector<300x1xf32>, vector<300x1xf32>, vector<300x1xf32>, vector<300x1xf32> -> vector<300x4xf32>
    %swap3A_677 = arith.constant 0 : index
    %swap3A_678 = arith.constant 0 : index
    %swap3A_679 = vector.load %arg3[%swap3A_677, %swap3A_678] : memref<300x4xf32, #tpu.memory_space<vmem>>, vector<300x4xf32>
    tpu.vector_store %arg3[%swap3A_677, %swap3A_678], %concatenate3A_676 {strides = array<i32>} : memref<300x4xf32, #tpu.memory_space<vmem>>, vector<300x4xf32>,
    %mul3A_680 = vector.broadcast %sub3A_525 : vector<1x2048xf32> to vector<300x2048xf32>
    %mul3A_681 = arith.mulf %select_n3A_656, %mul3A_680 : vector<300x2048xf32>
    %reduce_sum3A_682 = arith.constant dense<0.000000e+00> : vector<300xf32>
    %reduce_sum3A_683 = vector.multi_reduction <add>, %mul3A_681, %reduce_sum3A_682 [1] : vector<300x2048xf32> to vector<300xf32>
    %broadcast_in_dim3A_684 = vector.shape_cast %reduce_sum3A_683 : vector<300xf32> to vector<300x1xf32>
    %swap3A_685 = arith.constant 0 : index
    %swap3A_686 = arith.constant 0 : index
    %swap3A_687 = vector.load %arg4[%swap3A_685, %swap3A_686] : memref<300x1xf32, #tpu.memory_space<vmem>>, vector<300x1xf32>
    tpu.vector_store %arg4[%swap3A_685, %swap3A_686], %broadcast_in_dim3A_684 {strides = array<i32>} : memref<300x1xf32, #tpu.memory_space<vmem>>, vector<300x1xf32>,
    return
  }
}

</mosaic_0001>

<sc_bundles>
// kernel: gather_offload_async_start
scs
__scs_entry_jumppad:
0x0: {  	(pc) =	sbr.rel $0x88, $3  }
0x1: {  	(tag) =	ssettag $0x0;
	lr =	simm.s32 $0x1  }
0x2: {  	[smem:$0x3F94] =	sst lr;
	_ =	strace $0xD0000000  }
0x3: {  	_ = 	snop  }
0x4: {  	_ = 	snop  }
0x5: {  	_ = 	snop  }
0x6: {  	_ = 	snop  }
0x7: {  	_ = 	snop  }
__scs_overlays_trampoline_lowered:
0x8: {  	[smem:$0x3FA3] =	sst s0  }
0x9: {  	[smem:$0x3FA4] =	sst s1  }
0xa: {  	[smem:$0x3FA5] =	sst s2  }
0xb: {  	[smem:$0x3FA6] =	sst s3  }
0xc: {  	[smem:$0x3FA7] =	sst s4  }
0xd: {  	[smem:$0x3FA8] =	sst s5  }
0xe: {  	[smem:$0x3FA9] =	sst s6  }
0xf: {  	[smem:$0x3FAA] =	sst s7  }
0x10: {  	[smem:$0x3FAB] =	sst s8  }
0x11: {  	[smem:$0x3FAC] =	sst s9;
	s0 =	simm.s32 @!p0 $0x0  }
0x12: {  	s1 =	sld [smem:$0x3F92];
	s0 =	simm.s32 @p0 $0x1  }
0x13: {  	[smem:$0x3FAD] =	sst s0;
	s0 =	simm.s32 @!p1 $0x0  }
0x14: {  	s2 =	sld [smem:$0x3F91];
	s0 =	simm.s32 @p1 $0x1  }
0x15: {  	[smem:$0x3FAE] =	sst s0;
	s0 =	simm.s32 @!p2 $0x0  }
0x16: {  	s3 =	sld [smem:$0x3FDB];
	s0 =	simm.s32 @p2 $0x1  }
0x17: {  	s4 =	simm.s32 $0x1BF5;
	[smem:$0x3FB0] =	sst s0  }
0x18: {  	s0 =	sld [smem:$0x3F93];
	_ =	swait.ge [sflag:s4], $0x0  }
0x19: {  	s7 =	sld [smem:$0x3F94]  }
0x1a: {  	s8 =	sadd.s32 $0xFFFFE003, lr  }
0x1b: {  	s9 =	sadd.s32 $0xFFFFFEF7, lr;
	s5 =	simm.s32 $0xFFFFFFFF;
	p2 =	slt.u32 s8, $0xFFFFF086  }
0x1c: {  	p1 =	slt.u32 s9, $0xF7A;
	s5 =	simm.s32 @!p2 $0x0  }
0x1d: {  	s5 =	simm.s32 @p1 $0x1;
	p0 =	seq.s32 s7, s2  }
0x1e: {  	s7 =	smul.u32 @!p0 $0xF7A, s2;
	p2 =	seq.s32 @!p0 s5, $0x0  }
0x1f: {  	s9 =	smul.u32 $0xF7A, s1;
	s8 =	simm.s32 @!p0 $0x1BF5;
	p2 =	por !p2, p0  }
0x20: {  	[sflag:s8] =	ssyncset.s32 @!p0 $0xFFFFF086;
	s6 =	sadd.s32 @!p0 s3, s7;
	s7 =	simm.s32 @!p0 $0x108  }
0x21: {  	s3 =	sadd.s32 s3, s9;
	s6 =	sadd.s32 @!p0 $0x88, s6;
	s7 =	simm.s32 @p2 $0x1082  }
0x22: {  	[simem:s7], [sflag:s8] =	dma.local @!p0 [hbm:s6], $0xF7A  }
0x23: {  	s9 =	sor.u32 $0xD0000000, s2;
	s6 =	simm.s32 $0x108;
	_ =	swait.ge @!p0 [sflag:s8], $0x0  }
0x24: {  	s3 =	sadd.s32 $0x88, s3;
	s6 =	simm.s32 @!p1 $0x1082;
	[sflag:s4] =	ssyncset.s32 $0xFFFFF086  }
0x25: {  	[simem:s6], [sflag:s4] =	dma.local [hbm:s3], $0xF7A  }
0x26: {  	[smem:$0x3F94] =	sst s1;
	(tag) =	ssettag s2;
	_ =	strace s9  }
0x27: {  	s1 =	sld [smem:$0x3FA4]  }
0x28: {  	s2 =	sld [smem:$0x3FA5]  }
0x29: {  	s4 =	sld [smem:$0x3FA7]  }
0x2a: {  	p0 =	seq.s32 s5, $0x0;
	s5 =	sld [smem:$0x3FA8]  }
0x2b: {  	s6 =	sld [smem:$0x3FA9]  }
0x2c: {  	s7 =	sld [smem:$0x3FAA]  }
0x2d: {  	s3 =	simm.s32 $0x108;
	s8 =	sld [smem:$0x3FAB]  }
0x2e: {  	s3 =	simm.s32 @!p0 $0x1082;
	s9 =	sld [smem:$0x3FAC]  }
0x2f: {  	lr =	sadd.s32 s0, s3;
	s0 =	sld [smem:$0x3FA3]  }
0x30: {  	s3 =	sld [smem:$0x3FA6]  }
0x31: {  	[smem:$0x3FAF] =	sst s10  }
0x32: {  	s10 =	sld [smem:$0x3FAD];
	_ =	sdelay $0x3  }
0x33: {  	p0 =	seq.s32 s10, $0x1;
	s10 =	sld [smem:$0x3FAF];
	_ =	sdelay $0x3  }
0x34: {  	[smem:$0x3FAF] =	sst s10  }
0x35: {  	s10 =	sld [smem:$0x3FAE];
	_ =	sdelay $0x3  }
0x36: {  	p1 =	seq.s32 s10, $0x1;
	s10 =	sld [smem:$0x3FAF];
	_ =	sdelay $0x3  }
0x37: {  	[smem:$0x3FAF] =	sst s10  }
0x38: {  	s10 =	sld [smem:$0x3FB0]  }
0x39: {  	_ = 	snop;
	(pc) =	sbr.ind lr, $3  }
0x3a: {  	_ = 	snop  }
0x3b: {  	_ = 	snop  }
0x3c: {  	p2 =	seq.s32 s10, $0x1;
	s10 =	sld [smem:$0x3FAF]  }
0x3d: {  	_ =	shalt  }
0x3e: {  	_ =	shalt  }
0x3f: {  	_ =	shalt  }
0x40: {  	_ =	shalt  }
0x41: {  	_ =	shalt  }
0x42: {  	_ =	shalt  }
0x43: {  	_ =	shalt  }
0x44: {  	_ =	shalt  }
0x45: {  	_ =	shalt  }
0x46: {  	_ =	shalt  }
0x47: {  	_ =	shalt  }
0x48: {  	_ =	shalt  }
0x49: {  	_ =	shalt  }
0x4a: {  	_ =	shalt  }
0x4b: {  	_ =	shalt  }
0x4c: {  	_ =	shalt  }
0x4d: {  	_ =	shalt  }
0x4e: {  	_ =	shalt  }
0x4f: {  	_ =	shalt  }
0x50: {  	_ =	shalt  }
0x51: {  	_ =	shalt  }
0x52: {  	_ =	shalt  }
0x53: {  	_ =	shalt  }
0x54: {  	_ =	shalt  }
0x55: {  	_ =	shalt  }
0x56: {  	_ =	shalt  }
0x57: {  	_ =	shalt  }
0x58: {  	_ =	shalt  }
0x59: {  	_ =	shalt  }
0x5a: {  	_ =	shalt  }
0x5b: {  	_ =	shalt  }
0x5c: {  	_ =	shalt  }
0x5d: {  	_ =	shalt  }
0x5e: {  	_ =	shalt  }
0x5f: {  	_ =	shalt  }
0x60: {  	_ =	shalt  }
0x61: {  	_ =	shalt  }
0x62: {  	_ =	shalt  }
0x63: {  	_ =	shalt  }
0x64: {  	_ =	shalt  }
0x65: {  	_ =	shalt  }
0x66: {  	_ =	shalt  }
0x67: {  	_ =	shalt  }
0x68: {  	_ =	shalt  }
0x69: {  	_ =	shalt  }
0x6a: {  	_ =	shalt  }
0x6b: {  	_ =	shalt  }
0x6c: {  	_ =	shalt  }
0x6d: {  	_ =	shalt  }
0x6e: {  	_ =	shalt  }
0x6f: {  	_ =	shalt  }
0x70: {  	_ =	shalt  }
0x71: {  	_ =	shalt  }
0x72: {  	_ =	shalt  }
0x73: {  	_ =	shalt  }
0x74: {  	_ =	shalt  }
0x75: {  	_ =	shalt  }
0x76: {  	_ =	shalt  }
0x77: {  	_ =	shalt  }
0x78: {  	_ =	shalt  }
0x79: {  	_ =	shalt  }
0x7a: {  	_ =	shalt  }
0x7b: {  	_ =	shalt  }
0x7c: {  	_ =	shalt  }
0x7d: {  	_ =	shalt  }
0x7e: {  	_ =	shalt  }
0x7f: {  	_ =	shalt  }
0x80: {  	_ =	shalt  }
0x81: {  	_ =	shalt  }
0x82: {  	_ =	shalt  }
0x83: {  	_ =	shalt  }
0x84: {  	_ =	shalt  }
0x85: {  	_ =	shalt  }
0x86: {  	_ =	shalt  }
0x87: {  	_ =	shalt  }
.Lfunc_end0:
.L_simem_size_0:
called_computation_lowered:
.L_overlay_start_0:
0x88: {  	s0 =	sld [smem:$0x3FD9]  }
0x89: {  	s1 =	sld [smem:$0x3FFE];
	_ =	sdelay $0x3  }
0x8a: {  	s0 =	sadd.s32 s1, s0  }
0x8b: {  	[smem:$0x3FBB] =	sst s0  }
0x8c: {  	_ = 	snop  }
0x8d: {  	(tm) =	ssettm $0x1  }
0x8e: {  	s15 =	sld [smem:$0x3FFB];
	_ =	sdelay $0x3  }
0x8f: {  	_ =	strace s15  }
0x90: {  	s0 =	sld [smem:$0x3FFC];
	_ =	sdelay $0x3  }
0x91: {  	_ =	strace s0  }
0x92: {  	s0 =	sld [smem:$0x3FFD];
	_ =	sdelay $0x3  }
0x93: {  	_ =	strace s0  }
0x94: {  	_ =	strace $0x8FFFFFFF  }
0x95: {  	s16 =	sld [smem:$0x3FDB];
	_ =	sdelay $0x1  }
0x96: {  	s17 =	simm.s32 $_scs_section_size  }
0x97: {  	s2 =	simm.s32 $_size__tile_overlayer_lowered;
	s3 =	simm.s32 $_tile_overlayer_lowered  }
0x98: {  	s20 =	simm.s32 $0x1BFF;
	s19 =	sshll.u32 s3, $0x1;
	s0 =	sadd.s32 s17, s16  }
0x99: {  	s4 =	simm.s32 $0x0;
	s18 =	sshll.u32 s2, $0x1;
	s2 =	sadd.s32 s19, s0  }
0x9a: {  	[timem:s4], [sflag:s20] =	dma.local [hbm:s2], s18  }
0x9b: {  	_ =	swait.ge [sflag:s20], s18  }
0x9c: {  	s1 =	ssub.s32 $0x0, s18;
	[sflag:s20] =	ssyncset.done $0x0  }
0x9d: {  	[sflag:s20] =	ssyncadd.s32 s1;
	_ =	sdelay $0x1  }
0x9e: {  	s21 =	simm.s32 $0x1B8B  }
0x9f: {  	_ =	swait.ge [sflag:s21], $0x1  }
0xa0: {  	[sflag:s21] =	ssyncset.done $0x0  }
0xa1: {  	s23 =	simm.s32 $0x1B8E;
	s22 =	sld [smem:$0x3FFE];
	[sflag:s21] =	ssyncadd.s32 $0xFFFFFFFF  }
0xa2: {  	s24 =	simm.s32 $execute0_lowered;
	[smem:$0x3FD2] =	sst s23  }
0xa3: {  	s2 =	sshll.u32 s24, $0x1;
	_ =	strace $0x80000046;
	[dreg:$0x1] =	wrdreg $0xFFFFFFFF  }
0xa4: {  	s25 =	simm.s32 $_size_execute0_lowered;
	s0 =	sadd.s32 s0, s2;
	[dreg:$0x0] =	wrdreg $0x0  }
0xa5: {  	s2 =	sshll.u32 s25, $0x1;
	[dreg:$0x2] =	wrdreg s0  }
0xa6: {  	[dreg:$0x3] =	wrdreg s2  }
0xa7: {  	[dreg:$0x4] =	wrdreg $0xC0  }
0xa8: {  	_ =	task [dreg:s4], $0x5FFFF  }
0xa9: {  	[dreg:$0x1] =	wrdreg $0xFFFFFFFF  }
0xaa: {  	[dreg:$0x0] =	wrdreg $0x60  }
0xab: {  	[dreg:$0x2] =	wrdreg s22  }
0xac: {  	[dreg:$0x3] =	wrdreg $0x9  }
0xad: {  	_ =	task.clear_ibuf [dreg:s4], $0x4FFFF;
	_ =	strace $0x90000046  }
0xae: {  	s26 =	simm.s32 $0x9;
	_ =	strace $0x80000048  }
0xaf: {  	_ =	swait.ge [sflag:s26], $0x1  }
0xb0: {  	[sflag:s26] =	ssyncadd.s32 $0xFFFFFFFF  }
0xb1: {  	_ =	strace $0x90000048  }
0xb2: {  	_ =	sfence  }
0xb3: {  	s28 =	sld [smem:$0x0];
	_ =	sdelay $0x1  }
0xb4: {  	s29 =	srdreg.scid  }
0xb5: {  	s30 =	sshll.u32 s29, $0xD;
	s31 =	sshrl.u32 s29, $0x2  }
0xb6: {  	s1 =	sand.u32 $0x1, s29;
	s2 =	sand.u32 $0x4000, s30;
	s0 =	sadd.s32 s31, s28  }
0xb7: {  	s1 =	sor.u32 s2, s1;
	s0 =	sshll.u32 s0, $0x11  }
0xb8: {  	s0 =	sor.u32 s0, s1  }
0xb9: {  	s0 =	sadd.s32 $0x8F2B, s0  }
0xba: {  	[sflag:s0] =	ssyncadd.remote.s32 $0x1  }
0xbb: {  	_ =	sfence.sel $0xFFFF  }
0xbc: {  	[dreg:$0x0] =	wrdreg $0xFFFFFFFF;
	(pc) =	sbr.abs _section_cstart, $3  }
0xbd: {  	[dreg:$0x1] =	wrdreg $0xFFFFFFFF  }
0xbe: {  	_ =	task.clear_ibuf [dreg:s4], $0x2FFFF;
	_ =	strace $0x9FFFFFFF  }
0xbf: {  	(tm) =	ssettm $0x7FFFFFFF  }
tec
execute0_lowered:
.L_overlay_start_1:
0x0: {  	(tag) =	ssettag $0x1  }
0x1: {  	s0 =	stileid.u32  }
0x2: {  	s1 =	smin.u32 s0, $0x9  }
0x3: {  	s1 =	sadd.s32 s0, s1  }
0x4: {  	p0 =	slt.u32 s0, $0x9;
	s2 =	smul.u32 $0x50, s1;
	s1 =	simm.s32 $0xA0  }
0x5: {  	s1 =	simm.s32 @!p0 $0x50  }
0x6: {  	s1 =	sadd.s32 s1, s2  }
0x7: {  	s3 =	smin.u32 s1, $0x7D0  }
0x8: {  	s7 =	ssub.s32 s3, s2  }
0x9: {  	p0 =	sgt.s32 s7, $0x0  }
0xa: {  	s7 =	simm.s32 @!p0 $0x0  }
0xb: {  	s31 =	smul.u32 $0xCCCD, s7  }
0xc: {  	s4 =	rddreg [dreg:$0x0];
	s6 =	simm.s32 $0x1  }
0xd: {  	s10 =	simm.s32 $0x3;
	s13 =	simm.s32 $0x0;
	s8 =	sshrl.u32 s31, $0x16  }
0xe: {  	s12 =	simm.s32 $0x0;
	s5 =	sadd.s32 $0xF0000, s4;
	s9 =	smul.u32 $0x50, s8  }
.Ltmp0:
0xf: {  	s11 =	smov.u32 s2;
	s1 =	rddreg [dreg:$0x1];
	(pc) =	sbr.rel .LBB2_1-.Ltmp0, $4  }
0x10: {  	_ =	strace $0x80000047;
	p0 =	sne.s32 s7, s9;
	s9 =	simm.s32 $0x1  }
0x11: {  	[sflag:s6] =	ssyncpa.u1 $0x0;
	s7 =	simm.s32 $0x2;
	s9 =	simm.s32 @!p0 $0x0  }
0x12: {  	[sflag:s7] =	ssyncpa.u1 $0x0;
	p0 =	por $0x0, $0x0;
	s8 =	sadd.s32 s8, s9  }
0x13: {  	vm0 =	vmmov $0xff;
	vm1 =	vcmask $0x3F20;
	s9 =	sadd.s32 $0xF0200, s4;
	[sflag:s10] =	ssyncpa.u1 $0x0;
	s10 =	sadd.s32 $0x1, s8  }
.LBB2_6:
0x14: {  	[hbm:s17] =	stream.linear.scatter [tilespmem:s14], [sflag:$0x3], $0x400, $0x38;
	[tilespmem:$0x50A0] =	vst v63  }
.LBB2_7:
0x15: {  	s13 =	sadd.s32 $0x50, s11  }
0x16: {  	s15 =	smov.u32 s2;
	p2 =	slt.s32 s13, s3  }
0x17: {  	s15 =	smov.u32 @p2 s13;
	p2 =	sne.s32 s12, s10  }
.Ltmp1:
0x18: {  	p1 =	slt.u32 s12, $0x2;
	(pc) =	sbr.rel @!p2 .LBB2_8-.Ltmp1, $4  }
0x19: {  	s14 =	simm.s32 @!p1 $0x3  }
0x1a: {  	s16 =	sadd.s32 $0x1, s12;
	_ =	swait.ge @!p1 [sflag:s14], $0x2800  }
0x1b: {  	p0 =	por !p0, !p0;
	s13 =	smov.u32 s11;
	[sflag:s14] =	ssyncset.done @!p1 $0x0  }
0x1c: {  	s12 =	smov.u32 s16;
	s11 =	smov.u32 s15;
	[sflag:s14] =	ssyncadd.s32 @!p1 $0xFFFFD800  }
.LBB2_1:
0x1d: {  	p1 =	sge.u32 s12, s8  }
0x1e: {  	s14 =	sxor.u32 @!p1 $0xFFFFFFFF, s12  }
0x1f: {  	s14 =	sand.u32 @!p1 $0x1, s14  }
0x20: {  	s14 =	smul.u32 @!p1 $0x140, s14  }
0x21: {  	s31 =	sadd.s32 $0xFFFFFFFF, s12;
	s15 =	sshrl.u32 @!p1 s11, $0x3  }
0x22: {  	s16 =	sand.u32 @!p1 $0x7, s11;
	s15 =	sadd.s32 @!p1 s5, s15;
	s14 =	sshrl.u32 @!p1 s14, $0x2  }
0x23: {  	[tilespmem:s14], [sflag:$0x2] =	stream.linear.gather @!p1 [hbm4b:s15+s16], $0x50, $0x38;
	[tilespmem:$0x50A0] =	vst v63  }
0x24: {  	p1 =	sge.u32 s31, s8  }
.Ltmp2:
0x25: {  	_ = 	snop;
	(pc) =	sbr.rel @p1 .LBB2_7-.Ltmp2, $1  }
0x26: {  	_ =	sdelay $0x3  }
0x27: {  	s14 =	simm.s32 $0x1  }
0x28: {  	s14 =	simm.s32 @!p0 $0x0  }
0x29: {  	s15 =	smul.u32 $0x140, s14  }
0x2a: {  	_ =	swait.ge [sflag:s7], $0x50  }
0x2b: {  	[sflag:s7] =	ssyncset.done $0x0;
	s16 =	sshrl.u32 s15, $0x2  }
0x2c: {  	[sflag:s7] =	ssyncadd.s32 $0xFFFFFFB0;
	s15 =	sadd.s32 $0x0, s16  }
0x2d: {  	v0 =	vld.msk [tilespmem:s15+$0x0 ss:$0x1], $0xffff;
	_ =	sdelay $0x4  }
0x2e: {  	vm2 =	vgt.s32 v0, $0x0  }
0x2f: {  	v0 =	vnsel vm2, $0x0, v0  }
0x30: {  	v0 =	vmin.u32 v0, $0xEFFF  }
0x31: {  	v0 =	vshll.u32 v0, $0x4  }
0x32: {  	s14 =	smul.u32 $0xA000, s14;
	_ =	sdelay $0x1  }
0x33: {  	s14 =	sshrl.u32 s14, $0x2  }
0x34: {  	s14 =	sor.u32 $0xA0, s14  }
0x35: {  	[tilespmem:s14], [sflag:$0x1] =	stream.indirect_vreg.gather [hbm:s4], $0x80, v0, vm0, $0x38;
	[tilespmem:$0x50A0] =	vst v63  }
0x36: {  	s17 =	sadd.s32 $0x10, s16;
	s15 =	sadd.s32 $0x400, s14  }
0x37: {  	[tilespmem:s15], [sflag:$0x1] =	stream.indirect_vreg.gather [hbm:s4], $0x80, v0, vm1, $0x38;
	[tilespmem:$0x50A0] =	vst v63  }
0x38: {  	s18 =	simm.s32 $0x80;
	v0 =	vld.msk [tilespmem:s17+$0x0 ss:$0x1], $0xffff;
	s17 =	smov.u32 s14  }
.LBB2_3:
0x39: {  	p1 =	sne.s32 s18, $0x100;
	_ =	sdelay $0x4  }
0x3a: {  	vm2 =	vgt.s32 v0, $0x0  }
0x3b: {  	v0 =	vnsel vm2, $0x0, v0  }
0x3c: {  	v0 =	vmin.u32 v0, $0xEFFF  }
0x3d: {  	v0 =	vshll.u32 v0, $0x4;
	_ =	sdelay $0x3  }
.Ltmp3:
0x3e: {  	s19 =	sshra.s32 s18, $0x2;
	s17 =	sadd.s32 $0x800, s17;
	(pc) =	sbr.rel @p1 .LBB2_3-.Ltmp3, $4  }
0x3f: {  	[tilespmem:s17], [sflag:$0x1] =	stream.indirect_vreg.gather [hbm:s4], $0x80, v0, vm0, $0x38;
	[tilespmem:$0x50A0] =	vst v63  }
0x40: {  	s19 =	sadd.s32 s19, s16;
	s20 =	sadd.s32 $0x400, s17  }
0x41: {  	[tilespmem:s20], [sflag:$0x1] =	stream.indirect_vreg.gather [hbm:s4], $0x80, v0, vm1, $0x38;
	[tilespmem:$0x50A0] =	vst v63  }
0x42: {  	s18 =	sadd.s32 $0x40, s18;
	v0 =	vld.msk [tilespmem:s19+$0x0 ss:$0x1], $0xffff  }
0x43: {  	_ =	sdelay $0x3  }
0x44: {  	vm2 =	vgt.s32 v0, $0x0  }
0x45: {  	v0 =	vnsel vm2, $0x0, v0  }
0x46: {  	v0 =	vmin.u32 v0, $0xEFFF  }
0x47: {  	v0 =	vshll.u32 v0, $0x4;
	_ =	sdelay $0x3  }
0x48: {  	s16 =	sadd.s32 $0x800, s17  }
0x49: {  	[tilespmem:s16], [sflag:$0x1] =	stream.indirect_vreg.gather [hbm:s4], $0x80, v0, vm0, $0x38;
	[tilespmem:$0x50A0] =	vst v63  }
0x4a: {  	s16 =	sadd.s32 $0x400, s16  }
0x4b: {  	[tilespmem:s16], [sflag:$0x1] =	stream.indirect_vreg.gather [hbm:s4], $0x80, v0, vm1, $0x38;
	[tilespmem:$0x50A0] =	vst v63  }
0x4c: {  	s13 =	sshll.u32 s13, $0x4;
	_ =	swait.ge [sflag:s6], $0x2800  }
0x4d: {  	s13 =	sadd.s32 s13, s9;
	[sflag:s6] =	ssyncset.done $0x0  }
0x4e: {  	s17 =	sadd.s32 $0x0, s13;
	s16 =	simm.s32 $0x80;
	[sflag:s6] =	ssyncadd.s32 $0xFFFFD800  }
.LBB2_5:
0x4f: {  	[hbm:s17] =	stream.linear.scatter [tilespmem:s14], [sflag:$0x3], $0x400, $0x38;
	[tilespmem:$0x50A0] =	vst v63  }
0x50: {  	s17 =	smov.u32 s16;
	s14 =	smov.u32 s15;
	p1 =	sne.s32 s16, $0x480  }
.Ltmp4:
0x51: {  	s16 =	sadd.s32 $0x80, s16;
	(pc) =	sbr.rel @p1 .LBB2_5-.Ltmp4, $2  }
0x52: {  	_ =	sdelay $0x2  }
0x53: {  	s15 =	sadd.s32 $0x400, s15;
	s17 =	sadd.s32 s17, s13  }
.Ltmp5:
0x54: {  	_ = 	snop;
	(pc) =	sbr.rel .LBB2_6-.Ltmp5, $1  }
0x55: {  	_ =	sdelay $0x3  }
.LBB2_8:
0x56: {  	_ =	sfence.sel $0x180000  }
0x57: {  	s2 =	simm.s32 $0x2;
	[bflag:$0x0] =	sbarrier.arrive $0xFFFF  }
0x58: {  	s30 =	simm.s32 $0x3;
	[sflag:s2] =	ssyncpa.u1 $0x1  }
0x59: {  	s31 =	simm.s32 $0x1;
	[sflag:s30] =	ssyncpa.u1 $0x1  }
0x5a: {  	[sflag:s31] =	ssyncpa.u1 $0x1  }
0x5b: {  	p0 =	sne.s32 s0, $0x0;
	_ =	strace $0x90000047  }
0x5c: {  	s0 =	sadd.s32 @!p0 $0x100000, s1;
	[bflag:$0x2] =	sbarrier.arrive $0xFFFF  }
0x5d: {  	[sflag:s0] =	ssyncadd.tile.s32 @!p0 $0x1;
	_ =	shalt  }
.Lfunc_end2:
_tile_overlayer_lowered:
.L_overlay_start_2:
0x5e: {  	(tag) =	ssettag $0x2  }
0x5f: {  	s0 =	rddreg [dreg:$0x0];
	s2 =	stileid.u32  }
0x60: {  	s1 =	rddreg [dreg:$0x1];
	p0 =	sne.s32 s2, $0x0  }
0x61: {  	s3 =	rddreg [dreg:$0x2];
	[bflag:$0x3] =	sbarrier.arrive $0xFFFF;
	s2 =	simm.s32 @!p0 $0x1C01  }
0x62: {  	[timem:s3], [sflag:s2] =	dma.local @!p0 [hbm:s0], s1  }
0x63: {  	s0 =	simm.s32 @!p0 $0x1  }
0x64: {  	_ =	swait.ge @!p0 [sflag:s0], s1  }
0x65: {  	s1 =	ssub.s32 @!p0 $0x0, s1;
	[sflag:s0] =	ssyncset.done @!p0 $0x0  }
0x66: {  	[sflag:s0] =	ssyncadd.s32 @!p0 s1  }
0x67: {  	[bflag:$0x3] =	sbarrier.arrive $0xFFFF  }
0x68: {  	_ =	shalt  }

</sc_bundles>
